<compile_context>
chip_gen: v7x
topology: tpu7x:2x2x1
jax: 0.10.2.dev20260603
libtpu: 0.0.44.dev20260713+nightly
codegen_flags: <defaults>
</compile_context>

<pallas_src>
import jax
import jax.numpy as jnp
from jax import lax
from jax.experimental import pallas as pl
from jax.experimental.pallas import tpu as pltpu
from jax.experimental.pallas import tpu_sc as plsc

_H = 512
_W = 512
_NPIX = _H * _W
_NF = 512
_DS = 32
_BN = 2
_B3 = 6
_RATIO = 1.5
_THRESHOLD = 36.0


_CHUNK = 64


def _sc_gather_body(preds_ref, idx_ref, out_ref, selv, gpredv, predv, sem):
    c = lax.axis_index("c")
    s = lax.axis_index("s")
    wid = s * 2 + c
    row = wid // 8
    ch = wid % 8
    pltpu.sync_copy(idx_ref.at[row, 0, pl.ds(ch * _CHUNK, _CHUNK)], selv)
    base = row * _NPIX
    for j in range(_CHUNK // 16):
        gpredv[pl.ds(j * 16, 16)] = selv[pl.ds(j * 16, 16)] + base
    pltpu.async_copy(preds_ref.at[gpredv], predv, sem).wait()
    pltpu.sync_copy(predv, out_ref.at[row, 0, pl.ds(ch * _CHUNK, _CHUNK)])


def _sc_gather(preds4, idx6):
    mesh = plsc.VectorSubcoreMesh(core_axis_name="c", subcore_axis_name="s")
    fn = pl.kernel(
        _sc_gather_body,
        mesh=mesh,
        compiler_params=pltpu.CompilerParams(needs_layout_passes=False),
        out_type=jax.ShapeDtypeStruct((4, 1, _NF), jnp.float32),
        scratch_types=[
            pltpu.VMEM((_CHUNK,), jnp.int32),
            pltpu.VMEM((_CHUNK,), jnp.int32),
            pltpu.VMEM((_CHUNK,), jnp.float32),
            pltpu.SemaphoreType.DMA,
        ],
    )
    return fn(preds4, idx6)



_BCE_ROWS = _B3 * _H // 4


def _ham_bce_body(ori_ref, oth_ref, p_ref, l_ref, locrows_ref,
                  w_ref, sel_ref, locg_ref, bce_ref):
    p = p_ref[...]
    l = l_ref[...]
    lp = jnp.log(p)
    l1p = jnp.log(1.0 - p)
    s = l * (l1p - lp) - l1p

    @pl.when(jnp.logical_and(pl.program_id(0) == 0, pl.program_id(1) == 0))
    def _():
        bce_ref[0, 0] = 0.0

    bce_ref[0, 0] += jnp.sum(s)

    a = ori_ref[0]
    b = oth_ref[0]

    def bits(x):
        planes = [((x >> k) & 1).astype(jnp.float32) for k in range(8)]
        return jnp.concatenate(planes, axis=0)

    ba = bits(a)
    bb = bits(b)
    rsa = jnp.sum(ba, axis=0)
    rsb = jnp.sum(bb, axis=0)
    m = lax.dot_general(bb, ba, (((0,), (0,)), ((), ())),
                        preferred_element_type=jnp.float32)
    d = rsb[:, None] + rsa[None, :] - 2.0 * m
    val1 = jnp.min(d, axis=1)
    iota = lax.broadcasted_iota(jnp.int32, (_NF, _NF), 1)
    idx1 = jnp.min(jnp.where(d == val1[:, None], iota, _NF), axis=1)
    eq2 = iota == idx1[:, None]
    val2 = jnp.min(jnp.where(eq2, jnp.float32(1e9), d), axis=1)
    w = (val1 < _RATIO * val2).astype(jnp.float32)
    locv = locrows_ref[0, 0, :]
    locg = jnp.min(jnp.where(eq2, locv[None, :], jnp.int32(2 ** 30)), axis=1)
    w_ref[0, 0, :] = w
    sel_ref[0, 0, :] = idx1
    locg_ref[0, 0, :] = locg


def _ham_bce(features, p2d, l2d, idx6):
    return pl.pallas_call(
        _ham_bce_body,
        grid=(_BN, 2),
        in_specs=[
            pl.BlockSpec((1, _DS, _NF), lambda b, r: (b, 0, 0)),
            pl.BlockSpec((1, _DS, _NF), lambda b, r: (2 + r * 2 + b, 0, 0)),
            pl.BlockSpec((_BCE_ROWS, _W), lambda b, r: (b * 2 + r, 0)),
            pl.BlockSpec((_BCE_ROWS, _W), lambda b, r: (b * 2 + r, 0)),
            pl.BlockSpec((1, 1, _NF), lambda b, r: (2 + 2 * r, 0, 0)),
        ],
        out_specs=[
            pl.BlockSpec((1, 1, _NF), lambda b, r: (r * 2 + b, 0, 0)),
            pl.BlockSpec((1, 1, _NF), lambda b, r: (r * 2 + b, 0, 0)),
            pl.BlockSpec((1, 1, _NF), lambda b, r: (r * 2 + b, 0, 0)),
            pl.BlockSpec(memory_space=pltpu.SMEM, block_shape=(1, 1),
                         index_map=lambda b, r: (0, 0)),
        ],
        out_shape=[
            jax.ShapeDtypeStruct((4, 1, _NF), jnp.float32),
            jax.ShapeDtypeStruct((4, 1, _NF), jnp.int32),
            jax.ShapeDtypeStruct((4, 1, _NF), jnp.int32),
            jax.ShapeDtypeStruct((1, 1), jnp.float32),
        ],
    )(features, features, p2d, l2d, idx6)




def _branch_body(sem_ref, idx6_ref, sel_ref, w_ref, locg_ref, p4_ref,
                 out_ref):
    sel = sel_ref[:, 0, :]
    w = w_ref[:, 0, :]
    locg = locg_ref[:, 0, :]
    lo = jnp.concatenate([idx6_ref[0:2, 0, :]] * 2, axis=0)
    pvv = jnp.concatenate([p4_ref[2:4, 0, :]] * 2, axis=0)
    po = jnp.concatenate([p4_ref[0:2, 0, :]] * 2, axis=0)
    iota = lax.broadcasted_iota(jnp.int32, (4, _NF, _NF), 2)
    eq = iota == sel[:, :, None]
    ps = jnp.min(jnp.where(eq, pvv[:, None, :], jnp.float32(1e30)), axis=2)
    xs = (locg >> 9).astype(jnp.float32)
    ys = (locg & (_W - 1)).astype(jnp.float32)
    xo = (lo >> 9).astype(jnp.float32)
    yo = (lo & (_W - 1)).astype(jnp.float32)

    def msum(e):
        return jnp.sum(e, axis=1, keepdims=True)

    count = msum(w)
    mxs = msum(xs * w) / count
    mys = msum(ys * w) / count
    mxo = msum(xo * w) / count
    myo = msum(yo * w) / count
    xn = (xs - mxs) * w
    yn = (ys - mys) * w
    aa = (xo - mxo) * w
    bb = (yo - myo) * w
    aw = aa * w
    bw = bb * w
    xw = xn * w
    yw = yn * w
    axw = aw * xn
    bxw = bw * xn
    ayw = aw * yn
    byw = bw * yn
    s_aa = msum(aw * aw)
    s_ab = msum(aw * bw)
    s_a = msum(aw * w)
    s_bb = msum(bw * bw)
    s_b = msum(bw * w)
    s_w = msum(w * w)
    g06 = -msum(aw * axw)
    g07 = -msum(aw * bxw)
    g17 = -msum(bw * bxw)
    g26 = -msum(w * axw)
    g27 = -msum(w * bxw)
    g36 = -msum(aw * ayw)
    g37 = -msum(aw * byw)
    g47 = -msum(bw * byw)
    g56 = -msum(w * ayw)
    g57 = -msum(w * byw)
    g66 = msum(axw * axw + ayw * ayw)
    g67 = msum(axw * bxw + ayw * byw)
    g77 = msum(bxw * bxw + byw * byw)
    c0 = msum(aw * xw)
    c1 = msum(bw * xw)
    c2 = msum(w * xw)
    c3 = msum(aw * yw)
    c4 = msum(bw * yw)
    c5 = msum(w * yw)
    c6 = -msum(axw * xw + ayw * yw)
    c7 = -msum(bxw * xw + byw * yw)
    m8 = [
        [s_aa, s_ab, s_a, 0.0, 0.0, 0.0, g06, g07, c0],
        [s_ab, s_bb, s_b, 0.0, 0.0, 0.0, g07, g17, c1],
        [s_a, s_b, s_w, 0.0, 0.0, 0.0, g26, g27, c2],
        [0.0, 0.0, 0.0, s_aa, s_ab, s_a, g36, g37, c3],
        [0.0, 0.0, 0.0, s_ab, s_bb, s_b, g37, g47, c4],
        [0.0, 0.0, 0.0, s_a, s_b, s_w, g56, g57, c5],
        [g06, g07, g26, g36, g37, g56, g66, g67, c6],
        [g07, g17, g27, g37, g47, g57, g67, g77, c7],
    ]

    def is0(e):
        return isinstance(e, float)

    for k in range(8):
        ip = 1.0 / m8[k][k]
        m8[k] = [e if is0(e) else e * ip for e in m8[k]]
        for i in range(8):
            if i == k:
                continue
            f = m8[i][k]
            if is0(f):
                continue
            m8[i] = [e - f * pk if not is0(pk) else e
                     for e, pk in zip(m8[i], m8[k])]
            m8[i][k] = 0.0
    h = [m8[j][8] for j in range(8)]
    s0 = h[0] * aa + h[1] * bb + h[2]
    s1 = h[3] * aa + h[4] * bb + h[5]
    s2 = h[6] * aa + h[7] * bb + 1.0
    d = jnp.sqrt((xn - s0 / s2) ** 2 + (yn - s1 / s2) ** 2)
    res = msum(w * d * po * ps) / count
    dp = res[0, 0] + res[1, 0]
    dn = res[2, 0] + res[3, 0]
    triplet = jnp.maximum(dp - dn + _THRESHOLD, 0.0) / jnp.float32(_BN)
    out_ref[0, 0] = sem_ref[0, 0] / jnp.float32(_B3 * _NPIX) + triplet


def _branches(sem, idx6, sel4, w4, locg4, p4):
    return pl.pallas_call(
        _branch_body,
        grid=(1,),
        in_specs=[
            pl.BlockSpec(memory_space=pltpu.SMEM, block_shape=(1, 1),
                         index_map=lambda i: (0, 0)),
            pl.BlockSpec((_B3, 1, _NF), lambda i: (0, 0, 0)),
            pl.BlockSpec((4, 1, _NF), lambda i: (0, 0, 0)),
            pl.BlockSpec((4, 1, _NF), lambda i: (0, 0, 0)),
            pl.BlockSpec((4, 1, _NF), lambda i: (0, 0, 0)),
            pl.BlockSpec((4, 1, _NF), lambda i: (0, 0, 0)),
        ],
        out_specs=pl.BlockSpec(memory_space=pltpu.SMEM, block_shape=(1, 1),
                               index_map=lambda i: (0, 0)),
        out_shape=jax.ShapeDtypeStruct((1, 1), jnp.float32),
    )(sem, idx6, sel4, w4, locg4, p4)




def kernel(predictions, labels, indices, features):
    idx6 = indices.reshape(_B3, 1, _NF)
    preds4 = jnp.reshape(predictions[0:4], (4 * _NPIX,))
    p4 = _sc_gather(preds4, idx6)

    p2d = predictions.reshape(_B3 * _H, _W)
    l2d = labels.reshape(_B3 * _H, _W)
    w4, sel4, locg4, sem_sum = _ham_bce(features, p2d, l2d, idx6)

    res = _branches(sem_sum, idx6, sel4, w4, locg4, p4)
    return res[0, 0]

# --- scband reference (transcript-rebuilt; emitter-appended) ---
"""Pipeline reference for scband-hamming-loss-52166672777732 (READ-ONLY COPY).

The authoritative reference and input builder live on the scoring server;
editing this copy changes nothing except your own understanding.
"""

import jax, jax.numpy as jnp
import numpy as np

STATIC_RATIO = 1.0
DYNAMIC_RATIO = 1.0
TRIPLET_RATIO = 1.0
SEMANTIC_RATIO = 1.0
THREHOLD = 36.0
RATIO_THRESHOLD = 1.5

BATCH3 = 6
H = 512
W = 512
NFEAT = 512
DSIZE = 32


def setup_inputs(seed: int = 0):
    key = jax.random.key(seed)
    k1, k2, k3, k4 = jax.random.split(key, 4)
    predictions = jax.random.uniform(k1, (BATCH3, 1, H, W), dtype=jnp.float32, minval=1e-4, maxval=1.0 - 1e-4)
    labels = jax.random.uniform(k2, (BATCH3, 1, H, W), dtype=jnp.float32)
    indices = jax.random.randint(k3, (BATCH3, 1, NFEAT, 1), 0, H * W, dtype=jnp.int32)
    features = jax.random.randint(k4, (BATCH3, DSIZE, NFEAT), 0, 256, dtype=jnp.int32)
    return {'predictions': predictions, 'labels': labels, 'indices': indices, 'features': features}


def hamming_instance(positive, negative):
    instance = (positive // 128 != negative // 128).astype(jnp.int32)
    positive = positive % 128
    negative = negative % 128
    for i in range(6):
        d = 2 ** (6 - i)
        instance = instance + (positive // d != negative // d).astype(jnp.int32)
        positive = positive % d
        negative = negative % d
    instance = instance + (positive != negative).astype(jnp.int32)
    return instance.sum(axis=-1)


def _normalize(P, w, count):
    m = (P * w[None, :]).sum(axis=1) / count
    center = jnp.zeros((3, 1), dtype=P.dtype).at[0, 0].set(m[0]).at[1, 0].set(m[1])
    S = jnp.sqrt(2.0 * count) / jnp.sqrt((w * ((P - center) ** 2).sum(axis=0)).sum())
    Hn = jnp.eye(3, dtype=P.dtype).at[0, 2].set(-m[0]).at[1, 2].set(-m[1]).at[2, 2].set(S)
    Pn = Hn @ P
    return Pn[0:2, :].T


def _branch(img_width, loc_sel, loc_ori, pred_sel, pred_ori, w):
    count = w.sum()
    pos = jnp.stack([loc_sel // img_width, loc_sel % img_width], axis=-1).astype(jnp.float32)
    pos = jnp.concatenate([pos, jnp.ones((pos.shape[0], 1), dtype=jnp.float32)], axis=-1).T
    pos_o = jnp.stack([loc_ori // img_width, loc_ori % img_width], axis=-1).astype(jnp.float32)
    pos_o = jnp.concatenate([pos_o, jnp.ones((pos_o.shape[0], 1), dtype=jnp.float32)], axis=-1).T
    pos_o_n = _normalize(pos_o, w, count) * w[:, None]
    pos_n = _normalize(pos, w, count) * w[:, None]
    M = pos_n.shape[0]
    A1 = jnp.zeros((M, 16), dtype=jnp.float32)
    A1 = A1.at[:, 0:2].set(pos_o_n)
    A1 = A1.at[:, 2].set(1.0)
    A1 = A1.at[:, 6:8].set(-pos_o_n * pos_n[:, 0:1])
    A1 = A1.at[:, 11:13].set(pos_o_n)
    A1 = A1.at[:, 13].set(1.0)
    A1 = A1.at[:, 14:16].set(-pos_o_n * pos_n[:, 1:2])
    A1 = (A1 * w[:, None]).reshape(-1, 8)
    b = (pos_n * w[:, None]).reshape(-1, 1)
    h = jnp.linalg.inv(A1.T @ A1) @ A1.T @ b
    solve = jnp.concatenate([h, jnp.ones((1, 1), dtype=jnp.float32)], axis=0).reshape(3, 3)
    P = jnp.concatenate([pos_n, jnp.ones((M, 1), dtype=jnp.float32)], axis=1)
    Po = jnp.concatenate([pos_o_n, jnp.ones((M, 1), dtype=jnp.float32)], axis=1)
    scale = (solve @ Po.T).T
    d = jnp.sqrt(((P - scale / scale[:, 2:3]) ** 2).sum(axis=1))
    return (w * d * pred_ori * pred_sel).sum() / count


def _forward(predictions, labels, indices, features):
    B3 = features.shape[0]
    batch_num = B3 // 3
    img_width = predictions.shape[-1]
    weight = jnp.where(labels == 0, DYNAMIC_RATIO, STATIC_RATIO)
    log_p = jnp.clip(jnp.log(predictions), -100.0, None)
    log_1mp = jnp.clip(jnp.log(1.0 - predictions), -100.0, None)
    semantic_loss = (weight * -(labels * log_p + (1.0 - labels) * log_1mp)).mean()
    preds_flat = predictions.reshape(B3, -1)
    idx = indices[:, 0, :, 0]
    prediction_sel = jnp.take_along_axis(preds_flat, idx, axis=1)
    location_positive = indices[batch_num:2 * batch_num, 0, :, 0]
    location_negative = indices[2 * batch_num:, 0, :, 0]
    location_origin = indices[0:batch_num, 0, :, 0]
    ori = jnp.transpose(features[0:batch_num], (0, 2, 1))
    posf = jnp.transpose(features[batch_num:2 * batch_num], (0, 2, 1))
    negf = jnp.transpose(features[2 * batch_num:3 * batch_num], (0, 2, 1))
    positive_instance = hamming_instance(ori[:, None, :, :], posf[:, :, None, :])
    negative_instance = hamming_instance(ori[:, None, :, :], negf[:, :, None, :])
    npv, sort_pos_indice = jax.lax.top_k(-positive_instance.astype(jnp.float32), 2)
    sort_pos_value = -npv
    nnv, sort_neg_indice = jax.lax.top_k(-negative_instance.astype(jnp.float32), 2)
    sort_neg_value = -nnv
    judge_pos = sort_pos_value[:, :, 0] < RATIO_THRESHOLD * sort_pos_value[:, :, 1]
    judge_neg = sort_neg_value[:, :, 0] < RATIO_THRESHOLD * sort_neg_value[:, :, 1]
    distance_pos = 0.0
    distance_neg = 0.0
    for i in range(batch_num):
        wp = judge_pos[i].astype(jnp.float32)
        sel = sort_pos_indice[i][:, 0]
        distance_pos = distance_pos + _branch(img_width, location_positive[0][sel], location_origin[i], prediction_sel[batch_num + i][sel], prediction_sel[i], wp)
        wn = judge_neg[i].astype(jnp.float32)
        seln = sort_neg_indice[i][:, 0]
        distance_neg = distance_neg + _branch(img_width, location_negative[0][seln], location_origin[i], prediction_sel[batch_num + i][seln], prediction_sel[i], wn)
    triplet = jnp.maximum(distance_pos - distance_neg + THREHOLD, 0.0) / batch_num
    return SEMANTIC_RATIO * semantic_loss + TRIPLET_RATIO * triplet


def reference(predictions, labels, indices, features):
    return _forward(predictions, labels, indices, features)

if __name__ == "__main__":
    import jax
    _d = setup_inputs()
    print(jax.jit(kernel)(*tuple(_d.values())))

</pallas_src>

<mosaic_0001>
#map = affine_map<(d0, d1) -> (0)>
#map1 = affine_map<(d0, d1) -> (0, 0, 0)>
module attributes {stable_mosaic.version = 14 : i64} {
  func.func @_sc_gather_body(%arg0: i32, %arg1: i32, %arg2: memref<1048576xf32, #tpu.memory_space<hbm>>, %arg3: memref<6x1x512xi32, #tpu.memory_space<hbm>>, %arg4: memref<4x1x512xf32, #tpu.memory_space<hbm>>, %arg5: memref<64xi32, #tpu.memory_space<vmem>>, %arg6: memref<64xi32, #tpu.memory_space<vmem>>, %arg7: memref<64xf32, #tpu.memory_space<vmem>>, %arg8: memref<!tpu.dma_semaphore, #tpu.memory_space<semaphore_mem>>) attributes {dimension_semantics = [#tpu.dimension_semantics<core_parallel>, #tpu.dimension_semantics<subcore_parallel>], iteration_bounds = array<i64: 2, 16>, scalar_prefetch = 0 : i64, scratch_operands = 4 : i64, tpu.core_type = #tpu.core_type<sc_vector_subcore>, window_params = [{transform_indices = #map}, {transform_indices = #map1}, {transform_indices = #map1}]} {
    %mul3A = arith.constant 2 : i32
    %mul3A_0 = arith.muli %arg1, %mul3A : i32
    %add3A = arith.addi %mul3A_0, %arg0 : i32
    %jit3A = arith.constant 8 : i32
    %div3A = arith.divsi %add3A, %jit3A : i32
    %sign3A = arith.constant 0 : i32
    %sign3A_1 = arith.cmpi sgt, %add3A, %sign3A : i32
    %sign3A_2 = arith.extui %sign3A_1 : i1 to i32
    %sign3A_3 = arith.constant 0 : i32
    %sign3A_4 = arith.cmpi slt, %add3A, %sign3A_3 : i32
    %sign3A_5 = arith.extui %sign3A_4 : i1 to i32
    %sign3A_6 = arith.subi %sign3A_2, %sign3A_5 : i32
    %sign3A_7 = arith.constant 0 : i32
    %sign3A_8 = arith.cmpi sgt, %jit3A, %sign3A_7 : i32
    %sign3A_9 = arith.extui %sign3A_8 : i1 to i32
    %sign3A_10 = arith.constant 0 : i32
    %sign3A_11 = arith.cmpi slt, %jit3A, %sign3A_10 : i32
    %sign3A_12 = arith.extui %sign3A_11 : i1 to i32
    %sign3A_13 = arith.subi %sign3A_9, %sign3A_12 : i32
    %ne3A = arith.cmpi ne, %sign3A_6, %sign3A_13 : i32
    %rem3A = arith.remsi %add3A, %jit3A : i32
    %ne3A_14 = arith.constant 0 : i32
    %ne3A_15 = arith.cmpi ne, %rem3A, %ne3A_14 : i32
    %and3A = arith.andi %ne3A, %ne3A_15 : i1
    %sub3A = arith.constant 1 : i32
    %sub3A_16 = arith.subi %div3A, %sub3A : i32
    %select_n3A = arith.select %and3A, %sub3A_16, %div3A : i32
    %jit3A_17 = arith.constant 8 : i32
    %eq3A = arith.constant 0 : i32
    %eq3A_18 = arith.cmpi eq, %jit3A_17, %eq3A : i32
    %jit3A_19 = arith.constant 1 : i32
    %select_n3A_20 = arith.select %eq3A_18, %jit3A_19, %jit3A_17 : i32
    %rem3A_21 = arith.remsi %add3A, %select_n3A_20 : i32
    %ne3A_22 = arith.constant 0 : i32
    %ne3A_23 = arith.cmpi ne, %rem3A_21, %ne3A_22 : i32
    %lt3A = arith.constant 0 : i32
    %lt3A_24 = arith.cmpi slt, %rem3A_21, %lt3A : i32
    %lt3A_25 = arith.constant 0 : i32
    %lt3A_26 = arith.cmpi slt, %select_n3A_20, %lt3A_25 : i32
    %ne3A_27 = arith.xori %lt3A_24, %lt3A_26 : i1
    %and3A_28 = arith.andi %ne3A_27, %ne3A_23 : i1
    %add3A_29 = arith.addi %rem3A_21, %select_n3A_20 : i32
    %select_n3A_30 = arith.select %and3A_28, %add3A_29, %rem3A_21 : i32
    %mul3A_31 = arith.constant 64 : i32
    %mul3A_32 = arith.muli %select_n3A_30, %mul3A_31 : i32
    %run_scoped3A = arith.constant 0 : i32
    "tpu.region"() ({
      %run_scoped3A_62 = tpu.sem_alloc : memref<!tpu.dma_semaphore, #tpu.memory_space<semaphore_mem>>
      %dma_start3A_63 = tpu.memref_slice %arg3[%select_n3A, %run_scoped3A, %mul3A_32] : memref<6x1x512xi32, #tpu.memory_space<hbm>> -> memref<1x1x64xi32, #tpu.memory_space<hbm>>
      %dma_start3A_64 = tpu.memref_squeeze %dma_start3A_63 : memref<1x1x64xi32, #tpu.memory_space<hbm>> -> memref<64xi32, #tpu.memory_space<hbm>>
      %dma_start3A_65 = tpu.memref_slice %arg3[%select_n3A, %run_scoped3A, %mul3A_32] : memref<6x1x512xi32, #tpu.memory_space<hbm>> -> memref<1x1x64xi32, #tpu.memory_space<hbm>>
      %dma_start3A_66 = tpu.memref_squeeze %dma_start3A_65 : memref<1x1x64xi32, #tpu.memory_space<hbm>> -> memref<64xi32, #tpu.memory_space<hbm>>
      tpu.enqueue_dma source(%dma_start3A_66 : memref<64xi32, #tpu.memory_space<hbm>>) target(%arg5 : memref<64xi32, #tpu.memory_space<vmem>>) target_semaphore(%run_scoped3A_62 : memref<!tpu.dma_semaphore, #tpu.memory_space<semaphore_mem>>)
      %dma_wait3A_67 = tpu.memref_slice %arg3[%select_n3A, %run_scoped3A, %mul3A_32] : memref<6x1x512xi32, #tpu.memory_space<hbm>> -> memref<1x1x64xi32, #tpu.memory_space<hbm>>
      %dma_wait3A_68 = tpu.memref_squeeze %dma_wait3A_67 : memref<1x1x64xi32, #tpu.memory_space<hbm>> -> memref<64xi32, #tpu.memory_space<hbm>>
      %dma_wait3A_69 = tpu.memref_slice %arg3[%select_n3A, %run_scoped3A, %mul3A_32] : memref<6x1x512xi32, #tpu.memory_space<hbm>> -> memref<1x1x64xi32, #tpu.memory_space<hbm>>
      %dma_wait3A_70 = tpu.memref_squeeze %dma_wait3A_69 : memref<1x1x64xi32, #tpu.memory_space<hbm>> -> memref<64xi32, #tpu.memory_space<hbm>>
      tpu.wait_dma2 semaphore(%run_scoped3A_62 : memref<!tpu.dma_semaphore, #tpu.memory_space<semaphore_mem>>) src(%dma_wait3A_70 : memref<64xi32, #tpu.memory_space<hbm>>) dst(%arg5 : memref<64xi32, #tpu.memory_space<vmem>>)
      tpu.yield
    }) : () -> ()
    %mul3A_33 = arith.constant 262144 : i32
    %mul3A_34 = arith.muli %select_n3A, %mul3A_33 : i32
    %get3A = arith.constant 0 : index
    %get3A_35 = tpu.vector_load %arg5[%get3A] {strides = array<i32>} : memref<64xi32, #tpu.memory_space<vmem>>, vector<16xi32>,
    %add3A_36 = vector.broadcast %mul3A_34 : i32 to vector<16xi32>
    %add3A_37 = arith.addi %get3A_35, %add3A_36 : vector<16xi32>
    %swap3A = arith.constant 0 : index
    %swap3A_38 = tpu.vector_load %arg6[%swap3A] {strides = array<i32>} : memref<64xi32, #tpu.memory_space<vmem>>, vector<16xi32>,
    tpu.vector_store %arg6[%swap3A], %add3A_37 {strides = array<i32>} : memref<64xi32, #tpu.memory_space<vmem>>, vector<16xi32>,
    %get3A_39 = arith.constant 16 : index
    %get3A_40 = tpu.vector_load %arg5[%get3A_39] {strides = array<i32>} : memref<64xi32, #tpu.memory_space<vmem>>, vector<16xi32>,
    %add3A_41 = vector.broadcast %mul3A_34 : i32 to vector<16xi32>
    %add3A_42 = arith.addi %get3A_40, %add3A_41 : vector<16xi32>
    %swap3A_43 = arith.constant 16 : index
    %swap3A_44 = tpu.vector_load %arg6[%swap3A_43] {strides = array<i32>} : memref<64xi32, #tpu.memory_space<vmem>>, vector<16xi32>,
    tpu.vector_store %arg6[%swap3A_43], %add3A_42 {strides = array<i32>} : memref<64xi32, #tpu.memory_space<vmem>>, vector<16xi32>,
    %get3A_45 = arith.constant 32 : index
    %get3A_46 = tpu.vector_load %arg5[%get3A_45] {strides = array<i32>} : memref<64xi32, #tpu.memory_space<vmem>>, vector<16xi32>,
    %add3A_47 = vector.broadcast %mul3A_34 : i32 to vector<16xi32>
    %add3A_48 = arith.addi %get3A_46, %add3A_47 : vector<16xi32>
    %swap3A_49 = arith.constant 32 : index
    %swap3A_50 = tpu.vector_load %arg6[%swap3A_49] {strides = array<i32>} : memref<64xi32, #tpu.memory_space<vmem>>, vector<16xi32>,
    tpu.vector_store %arg6[%swap3A_49], %add3A_48 {strides = array<i32>} : memref<64xi32, #tpu.memory_space<vmem>>, vector<16xi32>,
    %get3A_51 = arith.constant 48 : index
    %get3A_52 = tpu.vector_load %arg5[%get3A_51] {strides = array<i32>} : memref<64xi32, #tpu.memory_space<vmem>>, vector<16xi32>,
    %add3A_53 = vector.broadcast %mul3A_34 : i32 to vector<16xi32>
    %add3A_54 = arith.addi %get3A_52, %add3A_53 : vector<16xi32>
    %swap3A_55 = arith.constant 48 : index
    %swap3A_56 = tpu.vector_load %arg6[%swap3A_55] {strides = array<i32>} : memref<64xi32, #tpu.memory_space<vmem>>, vector<16xi32>,
    tpu.vector_store %arg6[%swap3A_55], %add3A_54 {strides = array<i32>} : memref<64xi32, #tpu.memory_space<vmem>>, vector<16xi32>,
    %dma_start3A = arith.constant 0 : i32
    %dma_start3A_57 = tpu.memref_slice %arg2[%dma_start3A] : memref<1048576xf32, #tpu.memory_space<hbm>> -> memref<1048576xf32, #tpu.memory_space<hbm>>
    tpu.enqueue_indirect_dma source(%dma_start3A_57 : memref<1048576xf32, #tpu.memory_space<hbm>>) target(%arg7 : memref<64xf32, #tpu.memory_space<vmem>>) offsets(%arg6 : memref<64xi32, #tpu.memory_space<vmem>>) semaphore(%arg8 : memref<!tpu.dma_semaphore, #tpu.memory_space<semaphore_mem>>)
    %dma_wait3A = arith.constant 0 : i32
    %dma_wait3A_58 = tpu.memref_slice %arg2[%dma_wait3A] : memref<1048576xf32, #tpu.memory_space<hbm>> -> memref<1048576xf32, #tpu.memory_space<hbm>>
    tpu.wait_indirect_dma semaphore(%arg8 : memref<!tpu.dma_semaphore, #tpu.memory_space<semaphore_mem>>) src(%dma_wait3A_58 : memref<1048576xf32, #tpu.memory_space<hbm>>) dst(%arg7 : memref<64xf32, #tpu.memory_space<vmem>>)
    %mul3A_59 = arith.constant 64 : i32
    %mul3A_60 = arith.muli %select_n3A_30, %mul3A_59 : i32
    %run_scoped3A_61 = arith.constant 0 : i32
    "tpu.region"() ({
      %run_scoped3A_62 = tpu.sem_alloc : memref<!tpu.dma_semaphore, #tpu.memory_space<semaphore_mem>>
      %dma_start3A_63 = tpu.memref_slice %arg4[%select_n3A, %run_scoped3A_61, %mul3A_60] : memref<4x1x512xf32, #tpu.memory_space<hbm>> -> memref<1x1x64xf32, #tpu.memory_space<hbm>>
      %dma_start3A_64 = tpu.memref_squeeze %dma_start3A_63 : memref<1x1x64xf32, #tpu.memory_space<hbm>> -> memref<64xf32, #tpu.memory_space<hbm>>
      %dma_start3A_65 = tpu.memref_slice %arg4[%select_n3A, %run_scoped3A_61, %mul3A_60] : memref<4x1x512xf32, #tpu.memory_space<hbm>> -> memref<1x1x64xf32, #tpu.memory_space<hbm>>
      %dma_start3A_66 = tpu.memref_squeeze %dma_start3A_65 : memref<1x1x64xf32, #tpu.memory_space<hbm>> -> memref<64xf32, #tpu.memory_space<hbm>>
      tpu.enqueue_dma source(%arg7 : memref<64xf32, #tpu.memory_space<vmem>>) target(%dma_start3A_66 : memref<64xf32, #tpu.memory_space<hbm>>) target_semaphore(%run_scoped3A_62 : memref<!tpu.dma_semaphore, #tpu.memory_space<semaphore_mem>>)
      %dma_wait3A_67 = tpu.memref_slice %arg4[%select_n3A, %run_scoped3A_61, %mul3A_60] : memref<4x1x512xf32, #tpu.memory_space<hbm>> -> memref<1x1x64xf32, #tpu.memory_space<hbm>>
      %dma_wait3A_68 = tpu.memref_squeeze %dma_wait3A_67 : memref<1x1x64xf32, #tpu.memory_space<hbm>> -> memref<64xf32, #tpu.memory_space<hbm>>
      %dma_wait3A_69 = tpu.memref_slice %arg4[%select_n3A, %run_scoped3A_61, %mul3A_60] : memref<4x1x512xf32, #tpu.memory_space<hbm>> -> memref<1x1x64xf32, #tpu.memory_space<hbm>>
      %dma_wait3A_70 = tpu.memref_squeeze %dma_wait3A_69 : memref<1x1x64xf32, #tpu.memory_space<hbm>> -> memref<64xf32, #tpu.memory_space<hbm>>
      tpu.wait_dma2 semaphore(%run_scoped3A_62 : memref<!tpu.dma_semaphore, #tpu.memory_space<semaphore_mem>>) src(%arg7 : memref<64xf32, #tpu.memory_space<vmem>>) dst(%dma_wait3A_70 : memref<64xf32, #tpu.memory_space<hbm>>)
      tpu.yield
    }) : () -> ()
    return
  }
}

module attributes {stable_mosaic.version = 14 : i64} {
  func.func @_ham_bce_body(%arg0: i32, %arg1: i32, %arg2: memref<1x32x512xi32, #tpu.memory_space<vmem>>, %arg3: memref<1x32x512xi32, #tpu.memory_space<vmem>>, %arg4: memref<768x512xf32, #tpu.memory_space<vmem>>, %arg5: memref<768x512xf32, #tpu.memory_space<vmem>>, %arg6: memref<1x1x512xi32, #tpu.memory_space<vmem>>, %arg7: memref<1x1x512xf32, #tpu.memory_space<vmem>>, %arg8: memref<1x1x512xi32, #tpu.memory_space<vmem>>, %arg9: memref<1x1x512xi32, #tpu.memory_space<vmem>>, %arg10: memref<1x1xf32, #tpu.memory_space<smem>>) attributes {dimension_semantics = [#tpu.dimension_semantics<arbitrary>, #tpu.dimension_semantics<arbitrary>], iteration_bounds = array<i64: 2, 2>, scalar_prefetch = 0 : i64, scratch_operands = 0 : i64, tpu.core_type = #tpu.core_type<tc>, window_params = [{transform_indices = @transform_0, window_bounds = array<i64: 1, 32, 512>}, {transform_indices = @transform_1, window_bounds = array<i64: 1, 32, 512>}, {transform_indices = @transform_2, window_bounds = array<i64: 768, 512>}, {transform_indices = @transform_3, window_bounds = array<i64: 768, 512>}, {transform_indices = @transform_4, window_bounds = array<i64: 1, 1, 512>}, {transform_indices = @transform_5, window_bounds = array<i64: 1, 1, 512>}, {transform_indices = @transform_6, window_bounds = array<i64: 1, 1, 512>}, {transform_indices = @transform_7, window_bounds = array<i64: 1, 1, 512>}, {transform_indices = @transform_8, window_bounds = array<i64: 1, 1>}]} {
    %get3A = arith.constant 0 : index
    %get3A_0 = arith.constant 0 : index
    %get3A_1 = vector.load %arg4[%get3A, %get3A_0] : memref<768x512xf32, #tpu.memory_space<vmem>>, vector<768x512xf32>
    %get3A_2 = arith.constant 0 : index
    %get3A_3 = arith.constant 0 : index
    %get3A_4 = vector.load %arg5[%get3A_2, %get3A_3] : memref<768x512xf32, #tpu.memory_space<vmem>>, vector<768x512xf32>
    %log3A = math.log %get3A_1 : vector<768x512xf32>
    %sub3A = arith.constant 1.000000e+00 : f32
    %sub3A_5 = vector.broadcast %sub3A : f32 to vector<768x512xf32>
    %sub3A_6 = arith.subf %sub3A_5, %get3A_1 : vector<768x512xf32>
    %log3A_7 = math.log %sub3A_6 : vector<768x512xf32>
    %sub3A_8 = arith.subf %log3A_7, %log3A : vector<768x512xf32>
    %mul3A = arith.mulf %get3A_4, %sub3A_8 : vector<768x512xf32>
    %sub3A_9 = arith.subf %mul3A, %log3A_7 : vector<768x512xf32>
    %eq3A = arith.constant 0 : i32
    %eq3A_10 = arith.cmpi eq, %arg0, %eq3A : i32
    %eq3A_11 = arith.constant 0 : i32
    %eq3A_12 = arith.cmpi eq, %arg1, %eq3A_11 : i32
    %and3A = arith.andi %eq3A_10, %eq3A_12 : i1
    %convert_element_type3A = arith.extui %and3A : i1 to i32
    %cond3A = arith.constant 0 : i32
    %cond3A_13 = arith.cmpi ne, %convert_element_type3A, %cond3A : i32
    scf.if %cond3A_13 {
      %swap3A_209 = arith.constant 0.000000e+00 : f32
      %swap3A_210 = arith.constant 0 : index
      %swap3A_211 = arith.constant 0 : index
      %swap3A_212 = memref.load %arg10[%swap3A_210, %swap3A_211] : memref<1x1xf32, #tpu.memory_space<smem>>
      memref.store %swap3A_209, %arg10[%swap3A_210, %swap3A_211] : memref<1x1xf32, #tpu.memory_space<smem>>
    } else {
    }
    %get3A_14 = arith.constant 0 : index
    %get3A_15 = arith.constant 0 : index
    %get3A_16 = memref.load %arg10[%get3A_14, %get3A_15] : memref<1x1xf32, #tpu.memory_space<smem>>
    %reduce_sum3A = vector.shape_cast %sub3A_9 : vector<768x512xf32> to vector<1x768x512xf32>
    %reduce_sum3A_17 = arith.constant dense<0.000000e+00> : vector<1xf32>
    %reduce_sum3A_18 = vector.multi_reduction <add>, %reduce_sum3A, %reduce_sum3A_17 [1, 2] : vector<1x768x512xf32> to vector<1xf32>
    %reduce_sum3A_19 = vector.shape_cast %reduce_sum3A_18 : vector<1xf32> to vector<1x1x1xf32>
    %reduce_sum3A_20 = vector.extract %reduce_sum3A_19[0, 0, 0] : f32 from vector<1x1x1xf32>
    %add3A = arith.addf %get3A_16, %reduce_sum3A_20 : f32
    %swap3A = arith.constant 0 : index
    %swap3A_21 = arith.constant 0 : index
    %swap3A_22 = memref.load %arg10[%swap3A, %swap3A_21] : memref<1x1xf32, #tpu.memory_space<smem>>
    memref.store %add3A, %arg10[%swap3A, %swap3A_21] : memref<1x1xf32, #tpu.memory_space<smem>>
    %get3A_23 = arith.constant 0 : index
    %get3A_24 = arith.constant 0 : index
    %get3A_25 = arith.constant 0 : index
    %get3A_26 = vector.load %arg2[%get3A_23, %get3A_24, %get3A_25] : memref<1x32x512xi32, #tpu.memory_space<vmem>>, vector<1x32x512xi32>
    %get3A_27 = vector.shape_cast %get3A_26 : vector<1x32x512xi32> to vector<32x512xi32>
    %get3A_28 = arith.constant 0 : index
    %get3A_29 = arith.constant 0 : index
    %get3A_30 = arith.constant 0 : index
    %get3A_31 = vector.load %arg3[%get3A_28, %get3A_29, %get3A_30] : memref<1x32x512xi32, #tpu.memory_space<vmem>>, vector<1x32x512xi32>
    %get3A_32 = vector.shape_cast %get3A_31 : vector<1x32x512xi32> to vector<32x512xi32>
    %shift_right_arithmetic3A = arith.constant 0 : i32
    %shift_right_arithmetic3A_33 = vector.broadcast %shift_right_arithmetic3A : i32 to vector<32x512xi32>
    %shift_right_arithmetic3A_34 = arith.shrsi %get3A_27, %shift_right_arithmetic3A_33 : vector<32x512xi32>
    %and3A_35 = arith.constant 1 : i32
    %and3A_36 = vector.broadcast %and3A_35 : i32 to vector<32x512xi32>
    %and3A_37 = arith.andi %shift_right_arithmetic3A_34, %and3A_36 : vector<32x512xi32>
    %convert_element_type3A_38 = arith.sitofp %and3A_37 : vector<32x512xi32> to vector<32x512xf32>
    %shift_right_arithmetic3A_39 = arith.constant 1 : i32
    %shift_right_arithmetic3A_40 = vector.broadcast %shift_right_arithmetic3A_39 : i32 to vector<32x512xi32>
    %shift_right_arithmetic3A_41 = arith.shrsi %get3A_27, %shift_right_arithmetic3A_40 : vector<32x512xi32>
    %and3A_42 = arith.constant 1 : i32
    %and3A_43 = vector.broadcast %and3A_42 : i32 to vector<32x512xi32>
    %and3A_44 = arith.andi %shift_right_arithmetic3A_41, %and3A_43 : vector<32x512xi32>
    %convert_element_type3A_45 = arith.sitofp %and3A_44 : vector<32x512xi32> to vector<32x512xf32>
    %shift_right_arithmetic3A_46 = arith.constant 2 : i32
    %shift_right_arithmetic3A_47 = vector.broadcast %shift_right_arithmetic3A_46 : i32 to vector<32x512xi32>
    %shift_right_arithmetic3A_48 = arith.shrsi %get3A_27, %shift_right_arithmetic3A_47 : vector<32x512xi32>
    %and3A_49 = arith.constant 1 : i32
    %and3A_50 = vector.broadcast %and3A_49 : i32 to vector<32x512xi32>
    %and3A_51 = arith.andi %shift_right_arithmetic3A_48, %and3A_50 : vector<32x512xi32>
    %convert_element_type3A_52 = arith.sitofp %and3A_51 : vector<32x512xi32> to vector<32x512xf32>
    %shift_right_arithmetic3A_53 = arith.constant 3 : i32
    %shift_right_arithmetic3A_54 = vector.broadcast %shift_right_arithmetic3A_53 : i32 to vector<32x512xi32>
    %shift_right_arithmetic3A_55 = arith.shrsi %get3A_27, %shift_right_arithmetic3A_54 : vector<32x512xi32>
    %and3A_56 = arith.constant 1 : i32
    %and3A_57 = vector.broadcast %and3A_56 : i32 to vector<32x512xi32>
    %and3A_58 = arith.andi %shift_right_arithmetic3A_55, %and3A_57 : vector<32x512xi32>
    %convert_element_type3A_59 = arith.sitofp %and3A_58 : vector<32x512xi32> to vector<32x512xf32>
    %shift_right_arithmetic3A_60 = arith.constant 4 : i32
    %shift_right_arithmetic3A_61 = vector.broadcast %shift_right_arithmetic3A_60 : i32 to vector<32x512xi32>
    %shift_right_arithmetic3A_62 = arith.shrsi %get3A_27, %shift_right_arithmetic3A_61 : vector<32x512xi32>
    %and3A_63 = arith.constant 1 : i32
    %and3A_64 = vector.broadcast %and3A_63 : i32 to vector<32x512xi32>
    %and3A_65 = arith.andi %shift_right_arithmetic3A_62, %and3A_64 : vector<32x512xi32>
    %convert_element_type3A_66 = arith.sitofp %and3A_65 : vector<32x512xi32> to vector<32x512xf32>
    %shift_right_arithmetic3A_67 = arith.constant 5 : i32
    %shift_right_arithmetic3A_68 = vector.broadcast %shift_right_arithmetic3A_67 : i32 to vector<32x512xi32>
    %shift_right_arithmetic3A_69 = arith.shrsi %get3A_27, %shift_right_arithmetic3A_68 : vector<32x512xi32>
    %and3A_70 = arith.constant 1 : i32
    %and3A_71 = vector.broadcast %and3A_70 : i32 to vector<32x512xi32>
    %and3A_72 = arith.andi %shift_right_arithmetic3A_69, %and3A_71 : vector<32x512xi32>
    %convert_element_type3A_73 = arith.sitofp %and3A_72 : vector<32x512xi32> to vector<32x512xf32>
    %shift_right_arithmetic3A_74 = arith.constant 6 : i32
    %shift_right_arithmetic3A_75 = vector.broadcast %shift_right_arithmetic3A_74 : i32 to vector<32x512xi32>
    %shift_right_arithmetic3A_76 = arith.shrsi %get3A_27, %shift_right_arithmetic3A_75 : vector<32x512xi32>
    %and3A_77 = arith.constant 1 : i32
    %and3A_78 = vector.broadcast %and3A_77 : i32 to vector<32x512xi32>
    %and3A_79 = arith.andi %shift_right_arithmetic3A_76, %and3A_78 : vector<32x512xi32>
    %convert_element_type3A_80 = arith.sitofp %and3A_79 : vector<32x512xi32> to vector<32x512xf32>
    %shift_right_arithmetic3A_81 = arith.constant 7 : i32
    %shift_right_arithmetic3A_82 = vector.broadcast %shift_right_arithmetic3A_81 : i32 to vector<32x512xi32>
    %shift_right_arithmetic3A_83 = arith.shrsi %get3A_27, %shift_right_arithmetic3A_82 : vector<32x512xi32>
    %and3A_84 = arith.constant 1 : i32
    %and3A_85 = vector.broadcast %and3A_84 : i32 to vector<32x512xi32>
    %and3A_86 = arith.andi %shift_right_arithmetic3A_83, %and3A_85 : vector<32x512xi32>
    %convert_element_type3A_87 = arith.sitofp %and3A_86 : vector<32x512xi32> to vector<32x512xf32>
    %concatenate3A = tpu.concatenate %convert_element_type3A_38, %convert_element_type3A_45, %convert_element_type3A_52, %convert_element_type3A_59, %convert_element_type3A_66, %convert_element_type3A_73, %convert_element_type3A_80, %convert_element_type3A_87 in 0 : vector<32x512xf32>, vector<32x512xf32>, vector<32x512xf32>, vector<32x512xf32>, vector<32x512xf32>, vector<32x512xf32>, vector<32x512xf32>, vector<32x512xf32> -> vector<256x512xf32>
    %shift_right_arithmetic3A_88 = arith.constant 0 : i32
    %shift_right_arithmetic3A_89 = vector.broadcast %shift_right_arithmetic3A_88 : i32 to vector<32x512xi32>
    %shift_right_arithmetic3A_90 = arith.shrsi %get3A_32, %shift_right_arithmetic3A_89 : vector<32x512xi32>
    %and3A_91 = arith.constant 1 : i32
    %and3A_92 = vector.broadcast %and3A_91 : i32 to vector<32x512xi32>
    %and3A_93 = arith.andi %shift_right_arithmetic3A_90, %and3A_92 : vector<32x512xi32>
    %convert_element_type3A_94 = arith.sitofp %and3A_93 : vector<32x512xi32> to vector<32x512xf32>
    %shift_right_arithmetic3A_95 = arith.constant 1 : i32
    %shift_right_arithmetic3A_96 = vector.broadcast %shift_right_arithmetic3A_95 : i32 to vector<32x512xi32>
    %shift_right_arithmetic3A_97 = arith.shrsi %get3A_32, %shift_right_arithmetic3A_96 : vector<32x512xi32>
    %and3A_98 = arith.constant 1 : i32
    %and3A_99 = vector.broadcast %and3A_98 : i32 to vector<32x512xi32>
    %and3A_100 = arith.andi %shift_right_arithmetic3A_97, %and3A_99 : vector<32x512xi32>
    %convert_element_type3A_101 = arith.sitofp %and3A_100 : vector<32x512xi32> to vector<32x512xf32>
    %shift_right_arithmetic3A_102 = arith.constant 2 : i32
    %shift_right_arithmetic3A_103 = vector.broadcast %shift_right_arithmetic3A_102 : i32 to vector<32x512xi32>
    %shift_right_arithmetic3A_104 = arith.shrsi %get3A_32, %shift_right_arithmetic3A_103 : vector<32x512xi32>
    %and3A_105 = arith.constant 1 : i32
    %and3A_106 = vector.broadcast %and3A_105 : i32 to vector<32x512xi32>
    %and3A_107 = arith.andi %shift_right_arithmetic3A_104, %and3A_106 : vector<32x512xi32>
    %convert_element_type3A_108 = arith.sitofp %and3A_107 : vector<32x512xi32> to vector<32x512xf32>
    %shift_right_arithmetic3A_109 = arith.constant 3 : i32
    %shift_right_arithmetic3A_110 = vector.broadcast %shift_right_arithmetic3A_109 : i32 to vector<32x512xi32>
    %shift_right_arithmetic3A_111 = arith.shrsi %get3A_32, %shift_right_arithmetic3A_110 : vector<32x512xi32>
    %and3A_112 = arith.constant 1 : i32
    %and3A_113 = vector.broadcast %and3A_112 : i32 to vector<32x512xi32>
    %and3A_114 = arith.andi %shift_right_arithmetic3A_111, %and3A_113 : vector<32x512xi32>
    %convert_element_type3A_115 = arith.sitofp %and3A_114 : vector<32x512xi32> to vector<32x512xf32>
    %shift_right_arithmetic3A_116 = arith.constant 4 : i32
    %shift_right_arithmetic3A_117 = vector.broadcast %shift_right_arithmetic3A_116 : i32 to vector<32x512xi32>
    %shift_right_arithmetic3A_118 = arith.shrsi %get3A_32, %shift_right_arithmetic3A_117 : vector<32x512xi32>
    %and3A_119 = arith.constant 1 : i32
    %and3A_120 = vector.broadcast %and3A_119 : i32 to vector<32x512xi32>
    %and3A_121 = arith.andi %shift_right_arithmetic3A_118, %and3A_120 : vector<32x512xi32>
    %convert_element_type3A_122 = arith.sitofp %and3A_121 : vector<32x512xi32> to vector<32x512xf32>
    %shift_right_arithmetic3A_123 = arith.constant 5 : i32
    %shift_right_arithmetic3A_124 = vector.broadcast %shift_right_arithmetic3A_123 : i32 to vector<32x512xi32>
    %shift_right_arithmetic3A_125 = arith.shrsi %get3A_32, %shift_right_arithmetic3A_124 : vector<32x512xi32>
    %and3A_126 = arith.constant 1 : i32
    %and3A_127 = vector.broadcast %and3A_126 : i32 to vector<32x512xi32>
    %and3A_128 = arith.andi %shift_right_arithmetic3A_125, %and3A_127 : vector<32x512xi32>
    %convert_element_type3A_129 = arith.sitofp %and3A_128 : vector<32x512xi32> to vector<32x512xf32>
    %shift_right_arithmetic3A_130 = arith.constant 6 : i32
    %shift_right_arithmetic3A_131 = vector.broadcast %shift_right_arithmetic3A_130 : i32 to vector<32x512xi32>
    %shift_right_arithmetic3A_132 = arith.shrsi %get3A_32, %shift_right_arithmetic3A_131 : vector<32x512xi32>
    %and3A_133 = arith.constant 1 : i32
    %and3A_134 = vector.broadcast %and3A_133 : i32 to vector<32x512xi32>
    %and3A_135 = arith.andi %shift_right_arithmetic3A_132, %and3A_134 : vector<32x512xi32>
    %convert_element_type3A_136 = arith.sitofp %and3A_135 : vector<32x512xi32> to vector<32x512xf32>
    %shift_right_arithmetic3A_137 = arith.constant 7 : i32
    %shift_right_arithmetic3A_138 = vector.broadcast %shift_right_arithmetic3A_137 : i32 to vector<32x512xi32>
    %shift_right_arithmetic3A_139 = arith.shrsi %get3A_32, %shift_right_arithmetic3A_138 : vector<32x512xi32>
    %and3A_140 = arith.constant 1 : i32
    %and3A_141 = vector.broadcast %and3A_140 : i32 to vector<32x512xi32>
    %and3A_142 = arith.andi %shift_right_arithmetic3A_139, %and3A_141 : vector<32x512xi32>
    %convert_element_type3A_143 = arith.sitofp %and3A_142 : vector<32x512xi32> to vector<32x512xf32>
    %concatenate3A_144 = tpu.concatenate %convert_element_type3A_94, %convert_element_type3A_101, %convert_element_type3A_108, %convert_element_type3A_115, %convert_element_type3A_122, %convert_element_type3A_129, %convert_element_type3A_136, %convert_element_type3A_143 in 0 : vector<32x512xf32>, vector<32x512xf32>, vector<32x512xf32>, vector<32x512xf32>, vector<32x512xf32>, vector<32x512xf32>, vector<32x512xf32>, vector<32x512xf32> -> vector<256x512xf32>
    %reduce_sum3A_145 = arith.constant dense<0.000000e+00> : vector<512xf32>
    %reduce_sum3A_146 = vector.multi_reduction <add>, %concatenate3A, %reduce_sum3A_145 [0] : vector<256x512xf32> to vector<512xf32>
    %reduce_sum3A_147 = arith.constant dense<0.000000e+00> : vector<512xf32>
    %reduce_sum3A_148 = vector.multi_reduction <add>, %concatenate3A_144, %reduce_sum3A_147 [0] : vector<256x512xf32> to vector<512xf32>
    %dot_general3A = arith.constant dense<0.000000e+00> : vector<512x512xf32>
    %dot_general3A_149 = tpu.matmul %concatenate3A_144, %concatenate3A, %dot_general3A {dimension_numbers = #tpu.dot_dimension_numbers<[0], [0], [1], [1], [0, 1, 1, 1], [], []>, transpose_lhs_hint = false} : vector<256x512xf32>, vector<256x512xf32>, vector<512x512xf32> -> vector<512x512xf32>
    %broadcast_in_dim3A = vector.shape_cast %reduce_sum3A_148 : vector<512xf32> to vector<512x1xf32>
    %broadcast_in_dim3A_150 = vector.shape_cast %reduce_sum3A_146 : vector<512xf32> to vector<1x512xf32>
    %add3A_151 = vector.broadcast %broadcast_in_dim3A : vector<512x1xf32> to vector<512x512xf32>
    %add3A_152 = vector.broadcast %broadcast_in_dim3A_150 : vector<1x512xf32> to vector<512x512xf32>
    %add3A_153 = arith.addf %add3A_151, %add3A_152 : vector<512x512xf32>
    %mul3A_154 = arith.constant 2.000000e+00 : f32
    %mul3A_155 = vector.broadcast %mul3A_154 : f32 to vector<512x512xf32>
    %mul3A_156 = arith.mulf %mul3A_155, %dot_general3A_149 : vector<512x512xf32>
    %sub3A_157 = arith.subf %add3A_153, %mul3A_156 : vector<512x512xf32>
    %reduce_min3A = arith.constant dense<0x7F800000> : vector<512xf32>
    %reduce_min3A_158 = vector.multi_reduction <minimumf>, %sub3A_157, %reduce_min3A [1] : vector<512x512xf32> to vector<512xf32>
    %iota3A = tpu.iota {dimensions = array<i32: 1>} : vector<512x512xi32>
    %broadcast_in_dim3A_159 = vector.shape_cast %reduce_min3A_158 : vector<512xf32> to vector<512x1xf32>
    %eq3A_160 = vector.broadcast %broadcast_in_dim3A_159 : vector<512x1xf32> to vector<512x512xf32>
    %eq3A_161 = arith.cmpf oeq, %sub3A_157, %eq3A_160 : vector<512x512xf32>
    %jit3A = arith.constant 512 : i32
    %broadcast_in_dim3A_162 = vector.broadcast %jit3A : i32 to vector<512x512xi32>
    %select_n3A = arith.select %eq3A_161, %iota3A, %broadcast_in_dim3A_162 : vector<512x512xi1>, vector<512x512xi32>
    %reduce_min3A_163 = arith.constant dense<2147483647> : vector<512xi32>
    %reduce_min3A_164 = vector.multi_reduction <minsi>, %select_n3A, %reduce_min3A_163 [1] : vector<512x512xi32> to vector<512xi32>
    %broadcast_in_dim3A_165 = vector.shape_cast %reduce_min3A_164 : vector<512xi32> to vector<512x1xi32>
    %eq3A_166 = vector.broadcast %broadcast_in_dim3A_165 : vector<512x1xi32> to vector<512x512xi32>
    %eq3A_167 = arith.cmpi eq, %iota3A, %eq3A_166 : vector<512x512xi32>
    %jit3A_168 = arith.constant 1.000000e+09 : f32
    %broadcast_in_dim3A_169 = vector.broadcast %jit3A_168 : f32 to vector<512x512xf32>
    %select_n3A_170 = arith.select %eq3A_167, %broadcast_in_dim3A_169, %sub3A_157 : vector<512x512xi1>, vector<512x512xf32>
    %reduce_min3A_171 = arith.constant dense<0x7F800000> : vector<512xf32>
    %reduce_min3A_172 = vector.multi_reduction <minimumf>, %select_n3A_170, %reduce_min3A_171 [1] : vector<512x512xf32> to vector<512xf32>
    %mul3A_173 = arith.constant 1.500000e+00 : f32
    %mul3A_174 = vector.broadcast %mul3A_173 : f32 to vector<512xf32>
    %mul3A_175 = arith.mulf %mul3A_174, %reduce_min3A_172 : vector<512xf32>
    %lt3A = arith.cmpf olt, %reduce_min3A_158, %mul3A_175 : vector<512xf32>
    %convert_element_type3A_176 = arith.extui %lt3A : vector<512xi1> to vector<512xi32>
    %convert_element_type3A_177 = arith.sitofp %convert_element_type3A_176 : vector<512xi32> to vector<512xf32>
    %get3A_178 = arith.constant 0 : index
    %get3A_179 = arith.constant 0 : index
    %get3A_180 = arith.constant 0 : index
    %get3A_181 = vector.load %arg6[%get3A_178, %get3A_179, %get3A_180] : memref<1x1x512xi32, #tpu.memory_space<vmem>>, vector<1x1x512xi32>
    %get3A_182 = vector.shape_cast %get3A_181 : vector<1x1x512xi32> to vector<512xi32>
    %broadcast_in_dim3A_183 = vector.shape_cast %get3A_182 : vector<512xi32> to vector<1x512xi32>
    %jit3A_184 = arith.constant 1073741824 : i32
    %broadcast_in_dim3A_185 = vector.shape_cast %broadcast_in_dim3A_183 : vector<1x512xi32> to vector<1x512xi32>
    %broadcast_in_dim3A_186 = vector.broadcast %broadcast_in_dim3A_185 : vector<1x512xi32> to vector<512x512xi32>
    %broadcast_in_dim3A_187 = vector.broadcast %jit3A_184 : i32 to vector<512x512xi32>
    %select_n3A_188 = arith.select %eq3A_167, %broadcast_in_dim3A_186, %broadcast_in_dim3A_187 : vector<512x512xi1>, vector<512x512xi32>
    %reduce_min3A_189 = arith.constant dense<2147483647> : vector<512xi32>
    %reduce_min3A_190 = vector.multi_reduction <minsi>, %select_n3A_188, %reduce_min3A_189 [1] : vector<512x512xi32> to vector<512xi32>
    %swap3A_191 = arith.constant 0 : index
    %swap3A_192 = arith.constant 0 : index
    %swap3A_193 = arith.constant 0 : index
    %swap3A_194 = vector.load %arg7[%swap3A_191, %swap3A_192, %swap3A_193] : memref<1x1x512xf32, #tpu.memory_space<vmem>>, vector<1x1x512xf32>
    %swap3A_195 = vector.shape_cast %swap3A_194 : vector<1x1x512xf32> to vector<512xf32>
    %swap3A_196 = vector.shape_cast %convert_element_type3A_177 : vector<512xf32> to vector<1x1x512xf32>
    tpu.vector_store %arg7[%swap3A_191, %swap3A_192, %swap3A_193], %swap3A_196 {strides = array<i32>} : memref<1x1x512xf32, #tpu.memory_space<vmem>>, vector<1x1x512xf32>,
    %swap3A_197 = arith.constant 0 : index
    %swap3A_198 = arith.constant 0 : index
    %swap3A_199 = arith.constant 0 : index
    %swap3A_200 = vector.load %arg8[%swap3A_197, %swap3A_198, %swap3A_199] : memref<1x1x512xi32, #tpu.memory_space<vmem>>, vector<1x1x512xi32>
    %swap3A_201 = vector.shape_cast %swap3A_200 : vector<1x1x512xi32> to vector<512xi32>
    %swap3A_202 = vector.shape_cast %reduce_min3A_164 : vector<512xi32> to vector<1x1x512xi32>
    tpu.vector_store %arg8[%swap3A_197, %swap3A_198, %swap3A_199], %swap3A_202 {strides = array<i32>} : memref<1x1x512xi32, #tpu.memory_space<vmem>>, vector<1x1x512xi32>,
    %swap3A_203 = arith.constant 0 : index
    %swap3A_204 = arith.constant 0 : index
    %swap3A_205 = arith.constant 0 : index
    %swap3A_206 = vector.load %arg9[%swap3A_203, %swap3A_204, %swap3A_205] : memref<1x1x512xi32, #tpu.memory_space<vmem>>, vector<1x1x512xi32>
    %swap3A_207 = vector.shape_cast %swap3A_206 : vector<1x1x512xi32> to vector<512xi32>
    %swap3A_208 = vector.shape_cast %reduce_min3A_190 : vector<512xi32> to vector<1x1x512xi32>
    tpu.vector_store %arg9[%swap3A_203, %swap3A_204, %swap3A_205], %swap3A_208 {strides = array<i32>} : memref<1x1x512xi32, #tpu.memory_space<vmem>>, vector<1x1x512xi32>,
    return
  }
  func.func @transform_0(%arg0: i32, %arg1: i32) -> (i32, i32, i32) {
    %c0_i32 = arith.constant 0 : i32
    %c0_i32_0 = arith.constant 0 : i32
    %c0_i32_1 = arith.constant 0 : i32
    return %arg0, %c0_i32, %c0_i32_0 : i32, i32, i32
  }
  func.func @transform_1(%arg0: i32, %arg1: i32) -> (i32, i32, i32) {
    %mul3A = arith.constant 2 : i32
    %mul3A_0 = arith.muli %arg1, %mul3A : i32
    %add3A = arith.constant 2 : i32
    %add3A_1 = arith.addi %add3A, %mul3A_0 : i32
    %add3A_2 = arith.addi %add3A_1, %arg0 : i32
    %c0_i32 = arith.constant 0 : i32
    %c0_i32_3 = arith.constant 0 : i32
    %c0_i32_4 = arith.constant 0 : i32
    return %add3A_2, %c0_i32, %c0_i32_3 : i32, i32, i32
  }
  func.func @transform_2(%arg0: i32, %arg1: i32) -> (i32, i32) {
    %mul3A = arith.constant 2 : i32
    %mul3A_0 = arith.muli %arg0, %mul3A : i32
    %add3A = arith.addi %mul3A_0, %arg1 : i32
    %c0_i32 = arith.constant 0 : i32
    %c0_i32_1 = arith.constant 0 : i32
    return %add3A, %c0_i32 : i32, i32
  }
  func.func @transform_3(%arg0: i32, %arg1: i32) -> (i32, i32) {
    %mul3A = arith.constant 2 : i32
    %mul3A_0 = arith.muli %arg0, %mul3A : i32
    %add3A = arith.addi %mul3A_0, %arg1 : i32
    %c0_i32 = arith.constant 0 : i32
    %c0_i32_1 = arith.constant 0 : i32
    return %add3A, %c0_i32 : i32, i32
  }
  func.func @transform_4(%arg0: i32, %arg1: i32) -> (i32, i32, i32) {
    %mul3A = arith.constant 2 : i32
    %mul3A_0 = arith.muli %mul3A, %arg1 : i32
    %add3A = arith.constant 2 : i32
    %add3A_1 = arith.addi %add3A, %mul3A_0 : i32
    %c0_i32 = arith.constant 0 : i32
    %c0_i32_2 = arith.constant 0 : i32
    %c0_i32_3 = arith.constant 0 : i32
    return %add3A_1, %c0_i32, %c0_i32_2 : i32, i32, i32
  }
  func.func @transform_5(%arg0: i32, %arg1: i32) -> (i32, i32, i32) {
    %mul3A = arith.constant 2 : i32
    %mul3A_0 = arith.muli %arg1, %mul3A : i32
    %add3A = arith.addi %mul3A_0, %arg0 : i32
    %c0_i32 = arith.constant 0 : i32
    %c0_i32_1 = arith.constant 0 : i32
    %c0_i32_2 = arith.constant 0 : i32
    return %add3A, %c0_i32, %c0_i32_1 : i32, i32, i32
  }
  func.func @transform_6(%arg0: i32, %arg1: i32) -> (i32, i32, i32) {
    %mul3A = arith.constant 2 : i32
    %mul3A_0 = arith.muli %arg1, %mul3A : i32
    %add3A = arith.addi %mul3A_0, %arg0 : i32
    %c0_i32 = arith.constant 0 : i32
    %c0_i32_1 = arith.constant 0 : i32
    %c0_i32_2 = arith.constant 0 : i32
    return %add3A, %c0_i32, %c0_i32_1 : i32, i32, i32
  }
  func.func @transform_7(%arg0: i32, %arg1: i32) -> (i32, i32, i32) {
    %mul3A = arith.constant 2 : i32
    %mul3A_0 = arith.muli %arg1, %mul3A : i32
    %add3A = arith.addi %mul3A_0, %arg0 : i32
    %c0_i32 = arith.constant 0 : i32
    %c0_i32_1 = arith.constant 0 : i32
    %c0_i32_2 = arith.constant 0 : i32
    return %add3A, %c0_i32, %c0_i32_1 : i32, i32, i32
  }
  func.func @transform_8(%arg0: i32, %arg1: i32) -> (i32, i32) {
    %c0_i32 = arith.constant 0 : i32
    %c0_i32_0 = arith.constant 0 : i32
    %c0_i32_1 = arith.constant 0 : i32
    return %c0_i32, %c0_i32_0 : i32, i32
  }
}

module attributes {stable_mosaic.version = 14 : i64} {
  func.func @_branch_body(%arg0: i32, %arg1: memref<1x1xf32, #tpu.memory_space<smem>>, %arg2: memref<6x1x512xi32, #tpu.memory_space<vmem>>, %arg3: memref<4x1x512xi32, #tpu.memory_space<vmem>>, %arg4: memref<4x1x512xf32, #tpu.memory_space<vmem>>, %arg5: memref<4x1x512xi32, #tpu.memory_space<vmem>>, %arg6: memref<4x1x512xf32, #tpu.memory_space<vmem>>, %arg7: memref<1x1xf32, #tpu.memory_space<smem>>) attributes {dimension_semantics = [#tpu.dimension_semantics<arbitrary>], iteration_bounds = array<i64: 1>, scalar_prefetch = 0 : i64, scratch_operands = 0 : i64, tpu.core_type = #tpu.core_type<tc>, window_params = [{transform_indices = @transform_0, window_bounds = array<i64: 1, 1>}, {pipeline_mode = #tpu.pipeline_mode<synchronous>, transform_indices = @transform_1, window_bounds = array<i64: 6, 1, 512>}, {pipeline_mode = #tpu.pipeline_mode<synchronous>, transform_indices = @transform_2, window_bounds = array<i64: 4, 1, 512>}, {pipeline_mode = #tpu.pipeline_mode<synchronous>, transform_indices = @transform_3, window_bounds = array<i64: 4, 1, 512>}, {pipeline_mode = #tpu.pipeline_mode<synchronous>, transform_indices = @transform_4, window_bounds = array<i64: 4, 1, 512>}, {pipeline_mode = #tpu.pipeline_mode<synchronous>, transform_indices = @transform_5, window_bounds = array<i64: 4, 1, 512>}, {transform_indices = @transform_6, window_bounds = array<i64: 1, 1>}]} {
    %get3A = arith.constant 0 : index
    %get3A_0 = arith.constant 0 : index
    %get3A_1 = arith.constant 0 : index
    %get3A_2 = vector.load %arg3[%get3A, %get3A_0, %get3A_1] : memref<4x1x512xi32, #tpu.memory_space<vmem>>, vector<4x1x512xi32>
    %get3A_3 = vector.shape_cast %get3A_2 : vector<4x1x512xi32> to vector<4x512xi32>
    %get3A_4 = arith.constant 0 : index
    %get3A_5 = arith.constant 0 : index
    %get3A_6 = arith.constant 0 : index
    %get3A_7 = vector.load %arg4[%get3A_4, %get3A_5, %get3A_6] : memref<4x1x512xf32, #tpu.memory_space<vmem>>, vector<4x1x512xf32>
    %get3A_8 = vector.shape_cast %get3A_7 : vector<4x1x512xf32> to vector<4x512xf32>
    %get3A_9 = arith.constant 0 : index
    %get3A_10 = arith.constant 0 : index
    %get3A_11 = arith.constant 0 : index
    %get3A_12 = vector.load %arg5[%get3A_9, %get3A_10, %get3A_11] : memref<4x1x512xi32, #tpu.memory_space<vmem>>, vector<4x1x512xi32>
    %get3A_13 = vector.shape_cast %get3A_12 : vector<4x1x512xi32> to vector<4x512xi32>
    %get3A_14 = arith.constant 0 : index
    %get3A_15 = arith.constant 0 : index
    %get3A_16 = arith.constant 0 : index
    %get3A_17 = vector.load %arg2[%get3A_14, %get3A_15, %get3A_16] : memref<6x1x512xi32, #tpu.memory_space<vmem>>, vector<2x1x512xi32>
    %get3A_18 = vector.shape_cast %get3A_17 : vector<2x1x512xi32> to vector<2x512xi32>
    %concatenate3A = tpu.concatenate %get3A_18, %get3A_18 in 0 : vector<2x512xi32>, vector<2x512xi32> -> vector<4x512xi32>
    %get3A_19 = arith.constant 2 : index
    %get3A_20 = arith.constant 0 : index
    %get3A_21 = arith.constant 0 : index
    %get3A_22 = vector.load %arg6[%get3A_19, %get3A_20, %get3A_21] : memref<4x1x512xf32, #tpu.memory_space<vmem>>, vector<2x1x512xf32>
    %get3A_23 = vector.shape_cast %get3A_22 : vector<2x1x512xf32> to vector<2x512xf32>
    %concatenate3A_24 = tpu.concatenate %get3A_23, %get3A_23 in 0 : vector<2x512xf32>, vector<2x512xf32> -> vector<4x512xf32>
    %get3A_25 = arith.constant 0 : index
    %get3A_26 = arith.constant 0 : index
    %get3A_27 = arith.constant 0 : index
    %get3A_28 = vector.load %arg6[%get3A_25, %get3A_26, %get3A_27] : memref<4x1x512xf32, #tpu.memory_space<vmem>>, vector<2x1x512xf32>
    %get3A_29 = vector.shape_cast %get3A_28 : vector<2x1x512xf32> to vector<2x512xf32>
    %concatenate3A_30 = tpu.concatenate %get3A_29, %get3A_29 in 0 : vector<2x512xf32>, vector<2x512xf32> -> vector<4x512xf32>
    %iota3A = tpu.iota {dimensions = array<i32: 2>} : vector<4x512x512xi32>
    %broadcast_in_dim3A = vector.shape_cast %get3A_3 : vector<4x512xi32> to vector<4x512x1xi32>
    %eq3A = vector.broadcast %broadcast_in_dim3A : vector<4x512x1xi32> to vector<4x512x512xi32>
    %eq3A_31 = arith.cmpi eq, %iota3A, %eq3A : vector<4x512x512xi32>
    %broadcast_in_dim3A_32 = vector.shape_cast %concatenate3A_24 : vector<4x512xf32> to vector<4x1x512xf32>
    %jit3A = arith.constant 1.000000e+30 : f32
    %broadcast_in_dim3A_33 = vector.shape_cast %broadcast_in_dim3A_32 : vector<4x1x512xf32> to vector<4x1x512xf32>
    %broadcast_in_dim3A_34 = vector.broadcast %broadcast_in_dim3A_33 : vector<4x1x512xf32> to vector<4x512x512xf32>
    %broadcast_in_dim3A_35 = vector.broadcast %jit3A : f32 to vector<4x512x512xf32>
    %select_n3A = arith.select %eq3A_31, %broadcast_in_dim3A_34, %broadcast_in_dim3A_35 : vector<4x512x512xi1>, vector<4x512x512xf32>
    %reduce_min3A = arith.constant dense<0x7F800000> : vector<4x512xf32>
    %reduce_min3A_36 = vector.multi_reduction <minimumf>, %select_n3A, %reduce_min3A [2] : vector<4x512x512xf32> to vector<4x512xf32>
    %shift_right_arithmetic3A = arith.constant 9 : i32
    %shift_right_arithmetic3A_37 = vector.broadcast %shift_right_arithmetic3A : i32 to vector<4x512xi32>
    %shift_right_arithmetic3A_38 = arith.shrsi %get3A_13, %shift_right_arithmetic3A_37 : vector<4x512xi32>
    %convert_element_type3A = arith.sitofp %shift_right_arithmetic3A_38 : vector<4x512xi32> to vector<4x512xf32>
    %and3A = arith.constant 511 : i32
    %and3A_39 = vector.broadcast %and3A : i32 to vector<4x512xi32>
    %and3A_40 = arith.andi %get3A_13, %and3A_39 : vector<4x512xi32>
    %convert_element_type3A_41 = arith.sitofp %and3A_40 : vector<4x512xi32> to vector<4x512xf32>
    %shift_right_arithmetic3A_42 = arith.constant 9 : i32
    %shift_right_arithmetic3A_43 = vector.broadcast %shift_right_arithmetic3A_42 : i32 to vector<4x512xi32>
    %shift_right_arithmetic3A_44 = arith.shrsi %concatenate3A, %shift_right_arithmetic3A_43 : vector<4x512xi32>
    %convert_element_type3A_45 = arith.sitofp %shift_right_arithmetic3A_44 : vector<4x512xi32> to vector<4x512xf32>
    %and3A_46 = arith.constant 511 : i32
    %and3A_47 = vector.broadcast %and3A_46 : i32 to vector<4x512xi32>
    %and3A_48 = arith.andi %concatenate3A, %and3A_47 : vector<4x512xi32>
    %convert_element_type3A_49 = arith.sitofp %and3A_48 : vector<4x512xi32> to vector<4x512xf32>
    %reduce_sum3A = arith.constant dense<0.000000e+00> : vector<4xf32>
    %reduce_sum3A_50 = vector.multi_reduction <add>, %get3A_8, %reduce_sum3A [1] : vector<4x512xf32> to vector<4xf32>
    %broadcast_in_dim3A_51 = vector.shape_cast %reduce_sum3A_50 : vector<4xf32> to vector<4x1xf32>
    %mul3A = arith.mulf %convert_element_type3A, %get3A_8 : vector<4x512xf32>
    %reduce_sum3A_52 = arith.constant dense<0.000000e+00> : vector<4xf32>
    %reduce_sum3A_53 = vector.multi_reduction <add>, %mul3A, %reduce_sum3A_52 [1] : vector<4x512xf32> to vector<4xf32>
    %broadcast_in_dim3A_54 = vector.shape_cast %reduce_sum3A_53 : vector<4xf32> to vector<4x1xf32>
    %div3A = arith.divf %broadcast_in_dim3A_54, %broadcast_in_dim3A_51 : vector<4x1xf32>
    %mul3A_55 = arith.mulf %convert_element_type3A_41, %get3A_8 : vector<4x512xf32>
    %reduce_sum3A_56 = arith.constant dense<0.000000e+00> : vector<4xf32>
    %reduce_sum3A_57 = vector.multi_reduction <add>, %mul3A_55, %reduce_sum3A_56 [1] : vector<4x512xf32> to vector<4xf32>
    %broadcast_in_dim3A_58 = vector.shape_cast %reduce_sum3A_57 : vector<4xf32> to vector<4x1xf32>
    %div3A_59 = arith.divf %broadcast_in_dim3A_58, %broadcast_in_dim3A_51 : vector<4x1xf32>
    %mul3A_60 = arith.mulf %convert_element_type3A_45, %get3A_8 : vector<4x512xf32>
    %reduce_sum3A_61 = arith.constant dense<0.000000e+00> : vector<4xf32>
    %reduce_sum3A_62 = vector.multi_reduction <add>, %mul3A_60, %reduce_sum3A_61 [1] : vector<4x512xf32> to vector<4xf32>
    %broadcast_in_dim3A_63 = vector.shape_cast %reduce_sum3A_62 : vector<4xf32> to vector<4x1xf32>
    %div3A_64 = arith.divf %broadcast_in_dim3A_63, %broadcast_in_dim3A_51 : vector<4x1xf32>
    %mul3A_65 = arith.mulf %convert_element_type3A_49, %get3A_8 : vector<4x512xf32>
    %reduce_sum3A_66 = arith.constant dense<0.000000e+00> : vector<4xf32>
    %reduce_sum3A_67 = vector.multi_reduction <add>, %mul3A_65, %reduce_sum3A_66 [1] : vector<4x512xf32> to vector<4xf32>
    %broadcast_in_dim3A_68 = vector.shape_cast %reduce_sum3A_67 : vector<4xf32> to vector<4x1xf32>
    %div3A_69 = arith.divf %broadcast_in_dim3A_68, %broadcast_in_dim3A_51 : vector<4x1xf32>
    %sub3A = vector.broadcast %div3A : vector<4x1xf32> to vector<4x512xf32>
    %sub3A_70 = arith.subf %convert_element_type3A, %sub3A : vector<4x512xf32>
    %mul3A_71 = arith.mulf %sub3A_70, %get3A_8 : vector<4x512xf32>
    %sub3A_72 = vector.broadcast %div3A_59 : vector<4x1xf32> to vector<4x512xf32>
    %sub3A_73 = arith.subf %convert_element_type3A_41, %sub3A_72 : vector<4x512xf32>
    %mul3A_74 = arith.mulf %sub3A_73, %get3A_8 : vector<4x512xf32>
    %sub3A_75 = vector.broadcast %div3A_64 : vector<4x1xf32> to vector<4x512xf32>
    %sub3A_76 = arith.subf %convert_element_type3A_45, %sub3A_75 : vector<4x512xf32>
    %mul3A_77 = arith.mulf %sub3A_76, %get3A_8 : vector<4x512xf32>
    %sub3A_78 = vector.broadcast %div3A_69 : vector<4x1xf32> to vector<4x512xf32>
    %sub3A_79 = arith.subf %convert_element_type3A_49, %sub3A_78 : vector<4x512xf32>
    %mul3A_80 = arith.mulf %sub3A_79, %get3A_8 : vector<4x512xf32>
    %mul3A_81 = arith.mulf %mul3A_77, %get3A_8 : vector<4x512xf32>
    %mul3A_82 = arith.mulf %mul3A_80, %get3A_8 : vector<4x512xf32>
    %mul3A_83 = arith.mulf %mul3A_71, %get3A_8 : vector<4x512xf32>
    %mul3A_84 = arith.mulf %mul3A_74, %get3A_8 : vector<4x512xf32>
    %mul3A_85 = arith.mulf %mul3A_81, %mul3A_71 : vector<4x512xf32>
    %mul3A_86 = arith.mulf %mul3A_82, %mul3A_71 : vector<4x512xf32>
    %mul3A_87 = arith.mulf %mul3A_81, %mul3A_74 : vector<4x512xf32>
    %mul3A_88 = arith.mulf %mul3A_82, %mul3A_74 : vector<4x512xf32>
    %mul3A_89 = arith.mulf %mul3A_81, %mul3A_81 : vector<4x512xf32>
    %reduce_sum3A_90 = arith.constant dense<0.000000e+00> : vector<4xf32>
    %reduce_sum3A_91 = vector.multi_reduction <add>, %mul3A_89, %reduce_sum3A_90 [1] : vector<4x512xf32> to vector<4xf32>
    %broadcast_in_dim3A_92 = vector.shape_cast %reduce_sum3A_91 : vector<4xf32> to vector<4x1xf32>
    %mul3A_93 = arith.mulf %mul3A_81, %mul3A_82 : vector<4x512xf32>
    %reduce_sum3A_94 = arith.constant dense<0.000000e+00> : vector<4xf32>
    %reduce_sum3A_95 = vector.multi_reduction <add>, %mul3A_93, %reduce_sum3A_94 [1] : vector<4x512xf32> to vector<4xf32>
    %broadcast_in_dim3A_96 = vector.shape_cast %reduce_sum3A_95 : vector<4xf32> to vector<4x1xf32>
    %mul3A_97 = arith.mulf %mul3A_81, %get3A_8 : vector<4x512xf32>
    %reduce_sum3A_98 = arith.constant dense<0.000000e+00> : vector<4xf32>
    %reduce_sum3A_99 = vector.multi_reduction <add>, %mul3A_97, %reduce_sum3A_98 [1] : vector<4x512xf32> to vector<4xf32>
    %broadcast_in_dim3A_100 = vector.shape_cast %reduce_sum3A_99 : vector<4xf32> to vector<4x1xf32>
    %mul3A_101 = arith.mulf %mul3A_82, %mul3A_82 : vector<4x512xf32>
    %reduce_sum3A_102 = arith.constant dense<0.000000e+00> : vector<4xf32>
    %reduce_sum3A_103 = vector.multi_reduction <add>, %mul3A_101, %reduce_sum3A_102 [1] : vector<4x512xf32> to vector<4xf32>
    %broadcast_in_dim3A_104 = vector.shape_cast %reduce_sum3A_103 : vector<4xf32> to vector<4x1xf32>
    %mul3A_105 = arith.mulf %mul3A_82, %get3A_8 : vector<4x512xf32>
    %reduce_sum3A_106 = arith.constant dense<0.000000e+00> : vector<4xf32>
    %reduce_sum3A_107 = vector.multi_reduction <add>, %mul3A_105, %reduce_sum3A_106 [1] : vector<4x512xf32> to vector<4xf32>
    %broadcast_in_dim3A_108 = vector.shape_cast %reduce_sum3A_107 : vector<4xf32> to vector<4x1xf32>
    %mul3A_109 = arith.mulf %get3A_8, %get3A_8 : vector<4x512xf32>
    %reduce_sum3A_110 = arith.constant dense<0.000000e+00> : vector<4xf32>
    %reduce_sum3A_111 = vector.multi_reduction <add>, %mul3A_109, %reduce_sum3A_110 [1] : vector<4x512xf32> to vector<4xf32>
    %broadcast_in_dim3A_112 = vector.shape_cast %reduce_sum3A_111 : vector<4xf32> to vector<4x1xf32>
    %mul3A_113 = arith.mulf %mul3A_81, %mul3A_85 : vector<4x512xf32>
    %reduce_sum3A_114 = arith.constant dense<0.000000e+00> : vector<4xf32>
    %reduce_sum3A_115 = vector.multi_reduction <add>, %mul3A_113, %reduce_sum3A_114 [1] : vector<4x512xf32> to vector<4xf32>
    %broadcast_in_dim3A_116 = vector.shape_cast %reduce_sum3A_115 : vector<4xf32> to vector<4x1xf32>
    %neg3A = arith.constant 0.000000e+00 : f32
    %neg3A_117 = vector.broadcast %neg3A : f32 to vector<4x1xf32>
    %neg3A_118 = arith.subf %neg3A_117, %broadcast_in_dim3A_116 : vector<4x1xf32>
    %mul3A_119 = arith.mulf %mul3A_81, %mul3A_86 : vector<4x512xf32>
    %reduce_sum3A_120 = arith.constant dense<0.000000e+00> : vector<4xf32>
    %reduce_sum3A_121 = vector.multi_reduction <add>, %mul3A_119, %reduce_sum3A_120 [1] : vector<4x512xf32> to vector<4xf32>
    %broadcast_in_dim3A_122 = vector.shape_cast %reduce_sum3A_121 : vector<4xf32> to vector<4x1xf32>
    %neg3A_123 = arith.constant 0.000000e+00 : f32
    %neg3A_124 = vector.broadcast %neg3A_123 : f32 to vector<4x1xf32>
    %neg3A_125 = arith.subf %neg3A_124, %broadcast_in_dim3A_122 : vector<4x1xf32>
    %mul3A_126 = arith.mulf %mul3A_82, %mul3A_86 : vector<4x512xf32>
    %reduce_sum3A_127 = arith.constant dense<0.000000e+00> : vector<4xf32>
    %reduce_sum3A_128 = vector.multi_reduction <add>, %mul3A_126, %reduce_sum3A_127 [1] : vector<4x512xf32> to vector<4xf32>
    %broadcast_in_dim3A_129 = vector.shape_cast %reduce_sum3A_128 : vector<4xf32> to vector<4x1xf32>
    %neg3A_130 = arith.constant 0.000000e+00 : f32
    %neg3A_131 = vector.broadcast %neg3A_130 : f32 to vector<4x1xf32>
    %neg3A_132 = arith.subf %neg3A_131, %broadcast_in_dim3A_129 : vector<4x1xf32>
    %mul3A_133 = arith.mulf %get3A_8, %mul3A_85 : vector<4x512xf32>
    %reduce_sum3A_134 = arith.constant dense<0.000000e+00> : vector<4xf32>
    %reduce_sum3A_135 = vector.multi_reduction <add>, %mul3A_133, %reduce_sum3A_134 [1] : vector<4x512xf32> to vector<4xf32>
    %broadcast_in_dim3A_136 = vector.shape_cast %reduce_sum3A_135 : vector<4xf32> to vector<4x1xf32>
    %neg3A_137 = arith.constant 0.000000e+00 : f32
    %neg3A_138 = vector.broadcast %neg3A_137 : f32 to vector<4x1xf32>
    %neg3A_139 = arith.subf %neg3A_138, %broadcast_in_dim3A_136 : vector<4x1xf32>
    %mul3A_140 = arith.mulf %get3A_8, %mul3A_86 : vector<4x512xf32>
    %reduce_sum3A_141 = arith.constant dense<0.000000e+00> : vector<4xf32>
    %reduce_sum3A_142 = vector.multi_reduction <add>, %mul3A_140, %reduce_sum3A_141 [1] : vector<4x512xf32> to vector<4xf32>
    %broadcast_in_dim3A_143 = vector.shape_cast %reduce_sum3A_142 : vector<4xf32> to vector<4x1xf32>
    %neg3A_144 = arith.constant 0.000000e+00 : f32
    %neg3A_145 = vector.broadcast %neg3A_144 : f32 to vector<4x1xf32>
    %neg3A_146 = arith.subf %neg3A_145, %broadcast_in_dim3A_143 : vector<4x1xf32>
    %mul3A_147 = arith.mulf %mul3A_81, %mul3A_87 : vector<4x512xf32>
    %reduce_sum3A_148 = arith.constant dense<0.000000e+00> : vector<4xf32>
    %reduce_sum3A_149 = vector.multi_reduction <add>, %mul3A_147, %reduce_sum3A_148 [1] : vector<4x512xf32> to vector<4xf32>
    %broadcast_in_dim3A_150 = vector.shape_cast %reduce_sum3A_149 : vector<4xf32> to vector<4x1xf32>
    %neg3A_151 = arith.constant 0.000000e+00 : f32
    %neg3A_152 = vector.broadcast %neg3A_151 : f32 to vector<4x1xf32>
    %neg3A_153 = arith.subf %neg3A_152, %broadcast_in_dim3A_150 : vector<4x1xf32>
    %mul3A_154 = arith.mulf %mul3A_81, %mul3A_88 : vector<4x512xf32>
    %reduce_sum3A_155 = arith.constant dense<0.000000e+00> : vector<4xf32>
    %reduce_sum3A_156 = vector.multi_reduction <add>, %mul3A_154, %reduce_sum3A_155 [1] : vector<4x512xf32> to vector<4xf32>
    %broadcast_in_dim3A_157 = vector.shape_cast %reduce_sum3A_156 : vector<4xf32> to vector<4x1xf32>
    %neg3A_158 = arith.constant 0.000000e+00 : f32
    %neg3A_159 = vector.broadcast %neg3A_158 : f32 to vector<4x1xf32>
    %neg3A_160 = arith.subf %neg3A_159, %broadcast_in_dim3A_157 : vector<4x1xf32>
    %mul3A_161 = arith.mulf %mul3A_82, %mul3A_88 : vector<4x512xf32>
    %reduce_sum3A_162 = arith.constant dense<0.000000e+00> : vector<4xf32>
    %reduce_sum3A_163 = vector.multi_reduction <add>, %mul3A_161, %reduce_sum3A_162 [1] : vector<4x512xf32> to vector<4xf32>
    %broadcast_in_dim3A_164 = vector.shape_cast %reduce_sum3A_163 : vector<4xf32> to vector<4x1xf32>
    %neg3A_165 = arith.constant 0.000000e+00 : f32
    %neg3A_166 = vector.broadcast %neg3A_165 : f32 to vector<4x1xf32>
    %neg3A_167 = arith.subf %neg3A_166, %broadcast_in_dim3A_164 : vector<4x1xf32>
    %mul3A_168 = arith.mulf %get3A_8, %mul3A_87 : vector<4x512xf32>
    %reduce_sum3A_169 = arith.constant dense<0.000000e+00> : vector<4xf32>
    %reduce_sum3A_170 = vector.multi_reduction <add>, %mul3A_168, %reduce_sum3A_169 [1] : vector<4x512xf32> to vector<4xf32>
    %broadcast_in_dim3A_171 = vector.shape_cast %reduce_sum3A_170 : vector<4xf32> to vector<4x1xf32>
    %neg3A_172 = arith.constant 0.000000e+00 : f32
    %neg3A_173 = vector.broadcast %neg3A_172 : f32 to vector<4x1xf32>
    %neg3A_174 = arith.subf %neg3A_173, %broadcast_in_dim3A_171 : vector<4x1xf32>
    %mul3A_175 = arith.mulf %get3A_8, %mul3A_88 : vector<4x512xf32>
    %reduce_sum3A_176 = arith.constant dense<0.000000e+00> : vector<4xf32>
    %reduce_sum3A_177 = vector.multi_reduction <add>, %mul3A_175, %reduce_sum3A_176 [1] : vector<4x512xf32> to vector<4xf32>
    %broadcast_in_dim3A_178 = vector.shape_cast %reduce_sum3A_177 : vector<4xf32> to vector<4x1xf32>
    %neg3A_179 = arith.constant 0.000000e+00 : f32
    %neg3A_180 = vector.broadcast %neg3A_179 : f32 to vector<4x1xf32>
    %neg3A_181 = arith.subf %neg3A_180, %broadcast_in_dim3A_178 : vector<4x1xf32>
    %mul3A_182 = arith.mulf %mul3A_85, %mul3A_85 : vector<4x512xf32>
    %mul3A_183 = arith.mulf %mul3A_87, %mul3A_87 : vector<4x512xf32>
    %add3A = arith.addf %mul3A_182, %mul3A_183 : vector<4x512xf32>
    %reduce_sum3A_184 = arith.constant dense<0.000000e+00> : vector<4xf32>
    %reduce_sum3A_185 = vector.multi_reduction <add>, %add3A, %reduce_sum3A_184 [1] : vector<4x512xf32> to vector<4xf32>
    %broadcast_in_dim3A_186 = vector.shape_cast %reduce_sum3A_185 : vector<4xf32> to vector<4x1xf32>
    %mul3A_187 = arith.mulf %mul3A_85, %mul3A_86 : vector<4x512xf32>
    %mul3A_188 = arith.mulf %mul3A_87, %mul3A_88 : vector<4x512xf32>
    %add3A_189 = arith.addf %mul3A_187, %mul3A_188 : vector<4x512xf32>
    %reduce_sum3A_190 = arith.constant dense<0.000000e+00> : vector<4xf32>
    %reduce_sum3A_191 = vector.multi_reduction <add>, %add3A_189, %reduce_sum3A_190 [1] : vector<4x512xf32> to vector<4xf32>
    %broadcast_in_dim3A_192 = vector.shape_cast %reduce_sum3A_191 : vector<4xf32> to vector<4x1xf32>
    %mul3A_193 = arith.mulf %mul3A_86, %mul3A_86 : vector<4x512xf32>
    %mul3A_194 = arith.mulf %mul3A_88, %mul3A_88 : vector<4x512xf32>
    %add3A_195 = arith.addf %mul3A_193, %mul3A_194 : vector<4x512xf32>
    %reduce_sum3A_196 = arith.constant dense<0.000000e+00> : vector<4xf32>
    %reduce_sum3A_197 = vector.multi_reduction <add>, %add3A_195, %reduce_sum3A_196 [1] : vector<4x512xf32> to vector<4xf32>
    %broadcast_in_dim3A_198 = vector.shape_cast %reduce_sum3A_197 : vector<4xf32> to vector<4x1xf32>
    %mul3A_199 = arith.mulf %mul3A_81, %mul3A_83 : vector<4x512xf32>
    %reduce_sum3A_200 = arith.constant dense<0.000000e+00> : vector<4xf32>
    %reduce_sum3A_201 = vector.multi_reduction <add>, %mul3A_199, %reduce_sum3A_200 [1] : vector<4x512xf32> to vector<4xf32>
    %broadcast_in_dim3A_202 = vector.shape_cast %reduce_sum3A_201 : vector<4xf32> to vector<4x1xf32>
    %mul3A_203 = arith.mulf %mul3A_82, %mul3A_83 : vector<4x512xf32>
    %reduce_sum3A_204 = arith.constant dense<0.000000e+00> : vector<4xf32>
    %reduce_sum3A_205 = vector.multi_reduction <add>, %mul3A_203, %reduce_sum3A_204 [1] : vector<4x512xf32> to vector<4xf32>
    %broadcast_in_dim3A_206 = vector.shape_cast %reduce_sum3A_205 : vector<4xf32> to vector<4x1xf32>
    %mul3A_207 = arith.mulf %get3A_8, %mul3A_83 : vector<4x512xf32>
    %reduce_sum3A_208 = arith.constant dense<0.000000e+00> : vector<4xf32>
    %reduce_sum3A_209 = vector.multi_reduction <add>, %mul3A_207, %reduce_sum3A_208 [1] : vector<4x512xf32> to vector<4xf32>
    %broadcast_in_dim3A_210 = vector.shape_cast %reduce_sum3A_209 : vector<4xf32> to vector<4x1xf32>
    %mul3A_211 = arith.mulf %mul3A_81, %mul3A_84 : vector<4x512xf32>
    %reduce_sum3A_212 = arith.constant dense<0.000000e+00> : vector<4xf32>
    %reduce_sum3A_213 = vector.multi_reduction <add>, %mul3A_211, %reduce_sum3A_212 [1] : vector<4x512xf32> to vector<4xf32>
    %broadcast_in_dim3A_214 = vector.shape_cast %reduce_sum3A_213 : vector<4xf32> to vector<4x1xf32>
    %mul3A_215 = arith.mulf %mul3A_82, %mul3A_84 : vector<4x512xf32>
    %reduce_sum3A_216 = arith.constant dense<0.000000e+00> : vector<4xf32>
    %reduce_sum3A_217 = vector.multi_reduction <add>, %mul3A_215, %reduce_sum3A_216 [1] : vector<4x512xf32> to vector<4xf32>
    %broadcast_in_dim3A_218 = vector.shape_cast %reduce_sum3A_217 : vector<4xf32> to vector<4x1xf32>
    %mul3A_219 = arith.mulf %get3A_8, %mul3A_84 : vector<4x512xf32>
    %reduce_sum3A_220 = arith.constant dense<0.000000e+00> : vector<4xf32>
    %reduce_sum3A_221 = vector.multi_reduction <add>, %mul3A_219, %reduce_sum3A_220 [1] : vector<4x512xf32> to vector<4xf32>
    %broadcast_in_dim3A_222 = vector.shape_cast %reduce_sum3A_221 : vector<4xf32> to vector<4x1xf32>
    %mul3A_223 = arith.mulf %mul3A_85, %mul3A_83 : vector<4x512xf32>
    %mul3A_224 = arith.mulf %mul3A_87, %mul3A_84 : vector<4x512xf32>
    %add3A_225 = arith.addf %mul3A_223, %mul3A_224 : vector<4x512xf32>
    %reduce_sum3A_226 = arith.constant dense<0.000000e+00> : vector<4xf32>
    %reduce_sum3A_227 = vector.multi_reduction <add>, %add3A_225, %reduce_sum3A_226 [1] : vector<4x512xf32> to vector<4xf32>
    %broadcast_in_dim3A_228 = vector.shape_cast %reduce_sum3A_227 : vector<4xf32> to vector<4x1xf32>
    %neg3A_229 = arith.constant 0.000000e+00 : f32
    %neg3A_230 = vector.broadcast %neg3A_229 : f32 to vector<4x1xf32>
    %neg3A_231 = arith.subf %neg3A_230, %broadcast_in_dim3A_228 : vector<4x1xf32>
    %mul3A_232 = arith.mulf %mul3A_86, %mul3A_83 : vector<4x512xf32>
    %mul3A_233 = arith.mulf %mul3A_88, %mul3A_84 : vector<4x512xf32>
    %add3A_234 = arith.addf %mul3A_232, %mul3A_233 : vector<4x512xf32>
    %reduce_sum3A_235 = arith.constant dense<0.000000e+00> : vector<4xf32>
    %reduce_sum3A_236 = vector.multi_reduction <add>, %add3A_234, %reduce_sum3A_235 [1] : vector<4x512xf32> to vector<4xf32>
    %broadcast_in_dim3A_237 = vector.shape_cast %reduce_sum3A_236 : vector<4xf32> to vector<4x1xf32>
    %neg3A_238 = arith.constant 0.000000e+00 : f32
    %neg3A_239 = vector.broadcast %neg3A_238 : f32 to vector<4x1xf32>
    %neg3A_240 = arith.subf %neg3A_239, %broadcast_in_dim3A_237 : vector<4x1xf32>
    %div3A_241 = arith.constant 1.000000e+00 : f32
    %div3A_242 = vector.broadcast %div3A_241 : f32 to vector<4x1xf32>
    %div3A_243 = arith.divf %div3A_242, %broadcast_in_dim3A_92 : vector<4x1xf32>
    %mul3A_244 = arith.mulf %broadcast_in_dim3A_96, %div3A_243 : vector<4x1xf32>
    %mul3A_245 = arith.mulf %broadcast_in_dim3A_100, %div3A_243 : vector<4x1xf32>
    %mul3A_246 = arith.mulf %neg3A_118, %div3A_243 : vector<4x1xf32>
    %mul3A_247 = arith.mulf %neg3A_125, %div3A_243 : vector<4x1xf32>
    %mul3A_248 = arith.mulf %broadcast_in_dim3A_202, %div3A_243 : vector<4x1xf32>
    %mul3A_249 = arith.mulf %broadcast_in_dim3A_96, %mul3A_244 : vector<4x1xf32>
    %sub3A_250 = arith.subf %broadcast_in_dim3A_104, %mul3A_249 : vector<4x1xf32>
    %mul3A_251 = arith.mulf %broadcast_in_dim3A_96, %mul3A_245 : vector<4x1xf32>
    %sub3A_252 = arith.subf %broadcast_in_dim3A_108, %mul3A_251 : vector<4x1xf32>
    %mul3A_253 = arith.mulf %broadcast_in_dim3A_96, %mul3A_246 : vector<4x1xf32>
    %sub3A_254 = arith.subf %neg3A_125, %mul3A_253 : vector<4x1xf32>
    %mul3A_255 = arith.mulf %broadcast_in_dim3A_96, %mul3A_247 : vector<4x1xf32>
    %sub3A_256 = arith.subf %neg3A_132, %mul3A_255 : vector<4x1xf32>
    %mul3A_257 = arith.mulf %broadcast_in_dim3A_96, %mul3A_248 : vector<4x1xf32>
    %sub3A_258 = arith.subf %broadcast_in_dim3A_206, %mul3A_257 : vector<4x1xf32>
    %mul3A_259 = arith.mulf %broadcast_in_dim3A_100, %mul3A_244 : vector<4x1xf32>
    %sub3A_260 = arith.subf %broadcast_in_dim3A_108, %mul3A_259 : vector<4x1xf32>
    %mul3A_261 = arith.mulf %broadcast_in_dim3A_100, %mul3A_245 : vector<4x1xf32>
    %sub3A_262 = arith.subf %broadcast_in_dim3A_112, %mul3A_261 : vector<4x1xf32>
    %mul3A_263 = arith.mulf %broadcast_in_dim3A_100, %mul3A_246 : vector<4x1xf32>
    %sub3A_264 = arith.subf %neg3A_139, %mul3A_263 : vector<4x1xf32>
    %mul3A_265 = arith.mulf %broadcast_in_dim3A_100, %mul3A_247 : vector<4x1xf32>
    %sub3A_266 = arith.subf %neg3A_146, %mul3A_265 : vector<4x1xf32>
    %mul3A_267 = arith.mulf %broadcast_in_dim3A_100, %mul3A_248 : vector<4x1xf32>
    %sub3A_268 = arith.subf %broadcast_in_dim3A_210, %mul3A_267 : vector<4x1xf32>
    %mul3A_269 = arith.mulf %neg3A_118, %mul3A_244 : vector<4x1xf32>
    %sub3A_270 = arith.subf %neg3A_125, %mul3A_269 : vector<4x1xf32>
    %mul3A_271 = arith.mulf %neg3A_118, %mul3A_245 : vector<4x1xf32>
    %sub3A_272 = arith.subf %neg3A_139, %mul3A_271 : vector<4x1xf32>
    %mul3A_273 = arith.mulf %neg3A_118, %mul3A_246 : vector<4x1xf32>
    %sub3A_274 = arith.subf %broadcast_in_dim3A_186, %mul3A_273 : vector<4x1xf32>
    %mul3A_275 = arith.mulf %neg3A_118, %mul3A_247 : vector<4x1xf32>
    %sub3A_276 = arith.subf %broadcast_in_dim3A_192, %mul3A_275 : vector<4x1xf32>
    %mul3A_277 = arith.mulf %neg3A_118, %mul3A_248 : vector<4x1xf32>
    %sub3A_278 = arith.subf %neg3A_231, %mul3A_277 : vector<4x1xf32>
    %mul3A_279 = arith.mulf %neg3A_125, %mul3A_244 : vector<4x1xf32>
    %sub3A_280 = arith.subf %neg3A_132, %mul3A_279 : vector<4x1xf32>
    %mul3A_281 = arith.mulf %neg3A_125, %mul3A_245 : vector<4x1xf32>
    %sub3A_282 = arith.subf %neg3A_146, %mul3A_281 : vector<4x1xf32>
    %mul3A_283 = arith.mulf %neg3A_125, %mul3A_246 : vector<4x1xf32>
    %sub3A_284 = arith.subf %broadcast_in_dim3A_192, %mul3A_283 : vector<4x1xf32>
    %mul3A_285 = arith.mulf %neg3A_125, %mul3A_247 : vector<4x1xf32>
    %sub3A_286 = arith.subf %broadcast_in_dim3A_198, %mul3A_285 : vector<4x1xf32>
    %mul3A_287 = arith.mulf %neg3A_125, %mul3A_248 : vector<4x1xf32>
    %sub3A_288 = arith.subf %neg3A_240, %mul3A_287 : vector<4x1xf32>
    %div3A_289 = arith.constant 1.000000e+00 : f32
    %div3A_290 = vector.broadcast %div3A_289 : f32 to vector<4x1xf32>
    %div3A_291 = arith.divf %div3A_290, %sub3A_250 : vector<4x1xf32>
    %mul3A_292 = arith.mulf %sub3A_252, %div3A_291 : vector<4x1xf32>
    %mul3A_293 = arith.mulf %sub3A_254, %div3A_291 : vector<4x1xf32>
    %mul3A_294 = arith.mulf %sub3A_256, %div3A_291 : vector<4x1xf32>
    %mul3A_295 = arith.mulf %sub3A_258, %div3A_291 : vector<4x1xf32>
    %mul3A_296 = arith.mulf %mul3A_244, %mul3A_292 : vector<4x1xf32>
    %sub3A_297 = arith.subf %mul3A_245, %mul3A_296 : vector<4x1xf32>
    %mul3A_298 = arith.mulf %mul3A_244, %mul3A_293 : vector<4x1xf32>
    %sub3A_299 = arith.subf %mul3A_246, %mul3A_298 : vector<4x1xf32>
    %mul3A_300 = arith.mulf %mul3A_244, %mul3A_294 : vector<4x1xf32>
    %sub3A_301 = arith.subf %mul3A_247, %mul3A_300 : vector<4x1xf32>
    %mul3A_302 = arith.mulf %mul3A_244, %mul3A_295 : vector<4x1xf32>
    %sub3A_303 = arith.subf %mul3A_248, %mul3A_302 : vector<4x1xf32>
    %mul3A_304 = arith.mulf %sub3A_260, %mul3A_292 : vector<4x1xf32>
    %sub3A_305 = arith.subf %sub3A_262, %mul3A_304 : vector<4x1xf32>
    %mul3A_306 = arith.mulf %sub3A_260, %mul3A_293 : vector<4x1xf32>
    %sub3A_307 = arith.subf %sub3A_264, %mul3A_306 : vector<4x1xf32>
    %mul3A_308 = arith.mulf %sub3A_260, %mul3A_294 : vector<4x1xf32>
    %sub3A_309 = arith.subf %sub3A_266, %mul3A_308 : vector<4x1xf32>
    %mul3A_310 = arith.mulf %sub3A_260, %mul3A_295 : vector<4x1xf32>
    %sub3A_311 = arith.subf %sub3A_268, %mul3A_310 : vector<4x1xf32>
    %mul3A_312 = arith.mulf %sub3A_270, %mul3A_292 : vector<4x1xf32>
    %sub3A_313 = arith.subf %sub3A_272, %mul3A_312 : vector<4x1xf32>
    %mul3A_314 = arith.mulf %sub3A_270, %mul3A_293 : vector<4x1xf32>
    %sub3A_315 = arith.subf %sub3A_274, %mul3A_314 : vector<4x1xf32>
    %mul3A_316 = arith.mulf %sub3A_270, %mul3A_294 : vector<4x1xf32>
    %sub3A_317 = arith.subf %sub3A_276, %mul3A_316 : vector<4x1xf32>
    %mul3A_318 = arith.mulf %sub3A_270, %mul3A_295 : vector<4x1xf32>
    %sub3A_319 = arith.subf %sub3A_278, %mul3A_318 : vector<4x1xf32>
    %mul3A_320 = arith.mulf %sub3A_280, %mul3A_292 : vector<4x1xf32>
    %sub3A_321 = arith.subf %sub3A_282, %mul3A_320 : vector<4x1xf32>
    %mul3A_322 = arith.mulf %sub3A_280, %mul3A_293 : vector<4x1xf32>
    %sub3A_323 = arith.subf %sub3A_284, %mul3A_322 : vector<4x1xf32>
    %mul3A_324 = arith.mulf %sub3A_280, %mul3A_294 : vector<4x1xf32>
    %sub3A_325 = arith.subf %sub3A_286, %mul3A_324 : vector<4x1xf32>
    %mul3A_326 = arith.mulf %sub3A_280, %mul3A_295 : vector<4x1xf32>
    %sub3A_327 = arith.subf %sub3A_288, %mul3A_326 : vector<4x1xf32>
    %div3A_328 = arith.constant 1.000000e+00 : f32
    %div3A_329 = vector.broadcast %div3A_328 : f32 to vector<4x1xf32>
    %div3A_330 = arith.divf %div3A_329, %sub3A_305 : vector<4x1xf32>
    %mul3A_331 = arith.mulf %sub3A_307, %div3A_330 : vector<4x1xf32>
    %mul3A_332 = arith.mulf %sub3A_309, %div3A_330 : vector<4x1xf32>
    %mul3A_333 = arith.mulf %sub3A_311, %div3A_330 : vector<4x1xf32>
    %mul3A_334 = arith.mulf %sub3A_297, %mul3A_331 : vector<4x1xf32>
    %sub3A_335 = arith.subf %sub3A_299, %mul3A_334 : vector<4x1xf32>
    %mul3A_336 = arith.mulf %sub3A_297, %mul3A_332 : vector<4x1xf32>
    %sub3A_337 = arith.subf %sub3A_301, %mul3A_336 : vector<4x1xf32>
    %mul3A_338 = arith.mulf %sub3A_297, %mul3A_333 : vector<4x1xf32>
    %sub3A_339 = arith.subf %sub3A_303, %mul3A_338 : vector<4x1xf32>
    %mul3A_340 = arith.mulf %mul3A_292, %mul3A_331 : vector<4x1xf32>
    %sub3A_341 = arith.subf %mul3A_293, %mul3A_340 : vector<4x1xf32>
    %mul3A_342 = arith.mulf %mul3A_292, %mul3A_332 : vector<4x1xf32>
    %sub3A_343 = arith.subf %mul3A_294, %mul3A_342 : vector<4x1xf32>
    %mul3A_344 = arith.mulf %mul3A_292, %mul3A_333 : vector<4x1xf32>
    %sub3A_345 = arith.subf %mul3A_295, %mul3A_344 : vector<4x1xf32>
    %mul3A_346 = arith.mulf %sub3A_313, %mul3A_331 : vector<4x1xf32>
    %sub3A_347 = arith.subf %sub3A_315, %mul3A_346 : vector<4x1xf32>
    %mul3A_348 = arith.mulf %sub3A_313, %mul3A_332 : vector<4x1xf32>
    %sub3A_349 = arith.subf %sub3A_317, %mul3A_348 : vector<4x1xf32>
    %mul3A_350 = arith.mulf %sub3A_313, %mul3A_333 : vector<4x1xf32>
    %sub3A_351 = arith.subf %sub3A_319, %mul3A_350 : vector<4x1xf32>
    %mul3A_352 = arith.mulf %sub3A_321, %mul3A_331 : vector<4x1xf32>
    %sub3A_353 = arith.subf %sub3A_323, %mul3A_352 : vector<4x1xf32>
    %mul3A_354 = arith.mulf %sub3A_321, %mul3A_332 : vector<4x1xf32>
    %sub3A_355 = arith.subf %sub3A_325, %mul3A_354 : vector<4x1xf32>
    %mul3A_356 = arith.mulf %sub3A_321, %mul3A_333 : vector<4x1xf32>
    %sub3A_357 = arith.subf %sub3A_327, %mul3A_356 : vector<4x1xf32>
    %div3A_358 = arith.constant 1.000000e+00 : f32
    %div3A_359 = vector.broadcast %div3A_358 : f32 to vector<4x1xf32>
    %div3A_360 = arith.divf %div3A_359, %broadcast_in_dim3A_92 : vector<4x1xf32>
    %mul3A_361 = arith.mulf %broadcast_in_dim3A_96, %div3A_360 : vector<4x1xf32>
    %mul3A_362 = arith.mulf %broadcast_in_dim3A_100, %div3A_360 : vector<4x1xf32>
    %mul3A_363 = arith.mulf %neg3A_153, %div3A_360 : vector<4x1xf32>
    %mul3A_364 = arith.mulf %neg3A_160, %div3A_360 : vector<4x1xf32>
    %mul3A_365 = arith.mulf %broadcast_in_dim3A_214, %div3A_360 : vector<4x1xf32>
    %mul3A_366 = arith.mulf %broadcast_in_dim3A_96, %mul3A_361 : vector<4x1xf32>
    %sub3A_367 = arith.subf %broadcast_in_dim3A_104, %mul3A_366 : vector<4x1xf32>
    %mul3A_368 = arith.mulf %broadcast_in_dim3A_96, %mul3A_362 : vector<4x1xf32>
    %sub3A_369 = arith.subf %broadcast_in_dim3A_108, %mul3A_368 : vector<4x1xf32>
    %mul3A_370 = arith.mulf %broadcast_in_dim3A_96, %mul3A_363 : vector<4x1xf32>
    %sub3A_371 = arith.subf %neg3A_160, %mul3A_370 : vector<4x1xf32>
    %mul3A_372 = arith.mulf %broadcast_in_dim3A_96, %mul3A_364 : vector<4x1xf32>
    %sub3A_373 = arith.subf %neg3A_167, %mul3A_372 : vector<4x1xf32>
    %mul3A_374 = arith.mulf %broadcast_in_dim3A_96, %mul3A_365 : vector<4x1xf32>
    %sub3A_375 = arith.subf %broadcast_in_dim3A_218, %mul3A_374 : vector<4x1xf32>
    %mul3A_376 = arith.mulf %broadcast_in_dim3A_100, %mul3A_361 : vector<4x1xf32>
    %sub3A_377 = arith.subf %broadcast_in_dim3A_108, %mul3A_376 : vector<4x1xf32>
    %mul3A_378 = arith.mulf %broadcast_in_dim3A_100, %mul3A_362 : vector<4x1xf32>
    %sub3A_379 = arith.subf %broadcast_in_dim3A_112, %mul3A_378 : vector<4x1xf32>
    %mul3A_380 = arith.mulf %broadcast_in_dim3A_100, %mul3A_363 : vector<4x1xf32>
    %sub3A_381 = arith.subf %neg3A_174, %mul3A_380 : vector<4x1xf32>
    %mul3A_382 = arith.mulf %broadcast_in_dim3A_100, %mul3A_364 : vector<4x1xf32>
    %sub3A_383 = arith.subf %neg3A_181, %mul3A_382 : vector<4x1xf32>
    %mul3A_384 = arith.mulf %broadcast_in_dim3A_100, %mul3A_365 : vector<4x1xf32>
    %sub3A_385 = arith.subf %broadcast_in_dim3A_222, %mul3A_384 : vector<4x1xf32>
    %mul3A_386 = arith.mulf %neg3A_153, %mul3A_361 : vector<4x1xf32>
    %sub3A_387 = arith.subf %neg3A_160, %mul3A_386 : vector<4x1xf32>
    %mul3A_388 = arith.mulf %neg3A_153, %mul3A_362 : vector<4x1xf32>
    %sub3A_389 = arith.subf %neg3A_174, %mul3A_388 : vector<4x1xf32>
    %mul3A_390 = arith.mulf %neg3A_153, %mul3A_363 : vector<4x1xf32>
    %sub3A_391 = arith.subf %sub3A_347, %mul3A_390 : vector<4x1xf32>
    %mul3A_392 = arith.mulf %neg3A_153, %mul3A_364 : vector<4x1xf32>
    %sub3A_393 = arith.subf %sub3A_349, %mul3A_392 : vector<4x1xf32>
    %mul3A_394 = arith.mulf %neg3A_153, %mul3A_365 : vector<4x1xf32>
    %sub3A_395 = arith.subf %sub3A_351, %mul3A_394 : vector<4x1xf32>
    %mul3A_396 = arith.mulf %neg3A_160, %mul3A_361 : vector<4x1xf32>
    %sub3A_397 = arith.subf %neg3A_167, %mul3A_396 : vector<4x1xf32>
    %mul3A_398 = arith.mulf %neg3A_160, %mul3A_362 : vector<4x1xf32>
    %sub3A_399 = arith.subf %neg3A_181, %mul3A_398 : vector<4x1xf32>
    %mul3A_400 = arith.mulf %neg3A_160, %mul3A_363 : vector<4x1xf32>
    %sub3A_401 = arith.subf %sub3A_353, %mul3A_400 : vector<4x1xf32>
    %mul3A_402 = arith.mulf %neg3A_160, %mul3A_364 : vector<4x1xf32>
    %sub3A_403 = arith.subf %sub3A_355, %mul3A_402 : vector<4x1xf32>
    %mul3A_404 = arith.mulf %neg3A_160, %mul3A_365 : vector<4x1xf32>
    %sub3A_405 = arith.subf %sub3A_357, %mul3A_404 : vector<4x1xf32>
    %div3A_406 = arith.constant 1.000000e+00 : f32
    %div3A_407 = vector.broadcast %div3A_406 : f32 to vector<4x1xf32>
    %div3A_408 = arith.divf %div3A_407, %sub3A_367 : vector<4x1xf32>
    %mul3A_409 = arith.mulf %sub3A_369, %div3A_408 : vector<4x1xf32>
    %mul3A_410 = arith.mulf %sub3A_371, %div3A_408 : vector<4x1xf32>
    %mul3A_411 = arith.mulf %sub3A_373, %div3A_408 : vector<4x1xf32>
    %mul3A_412 = arith.mulf %sub3A_375, %div3A_408 : vector<4x1xf32>
    %mul3A_413 = arith.mulf %mul3A_361, %mul3A_409 : vector<4x1xf32>
    %sub3A_414 = arith.subf %mul3A_362, %mul3A_413 : vector<4x1xf32>
    %mul3A_415 = arith.mulf %mul3A_361, %mul3A_410 : vector<4x1xf32>
    %sub3A_416 = arith.subf %mul3A_363, %mul3A_415 : vector<4x1xf32>
    %mul3A_417 = arith.mulf %mul3A_361, %mul3A_411 : vector<4x1xf32>
    %sub3A_418 = arith.subf %mul3A_364, %mul3A_417 : vector<4x1xf32>
    %mul3A_419 = arith.mulf %mul3A_361, %mul3A_412 : vector<4x1xf32>
    %sub3A_420 = arith.subf %mul3A_365, %mul3A_419 : vector<4x1xf32>
    %mul3A_421 = arith.mulf %sub3A_377, %mul3A_409 : vector<4x1xf32>
    %sub3A_422 = arith.subf %sub3A_379, %mul3A_421 : vector<4x1xf32>
    %mul3A_423 = arith.mulf %sub3A_377, %mul3A_410 : vector<4x1xf32>
    %sub3A_424 = arith.subf %sub3A_381, %mul3A_423 : vector<4x1xf32>
    %mul3A_425 = arith.mulf %sub3A_377, %mul3A_411 : vector<4x1xf32>
    %sub3A_426 = arith.subf %sub3A_383, %mul3A_425 : vector<4x1xf32>
    %mul3A_427 = arith.mulf %sub3A_377, %mul3A_412 : vector<4x1xf32>
    %sub3A_428 = arith.subf %sub3A_385, %mul3A_427 : vector<4x1xf32>
    %mul3A_429 = arith.mulf %sub3A_387, %mul3A_409 : vector<4x1xf32>
    %sub3A_430 = arith.subf %sub3A_389, %mul3A_429 : vector<4x1xf32>
    %mul3A_431 = arith.mulf %sub3A_387, %mul3A_410 : vector<4x1xf32>
    %sub3A_432 = arith.subf %sub3A_391, %mul3A_431 : vector<4x1xf32>
    %mul3A_433 = arith.mulf %sub3A_387, %mul3A_411 : vector<4x1xf32>
    %sub3A_434 = arith.subf %sub3A_393, %mul3A_433 : vector<4x1xf32>
    %mul3A_435 = arith.mulf %sub3A_387, %mul3A_412 : vector<4x1xf32>
    %sub3A_436 = arith.subf %sub3A_395, %mul3A_435 : vector<4x1xf32>
    %mul3A_437 = arith.mulf %sub3A_397, %mul3A_409 : vector<4x1xf32>
    %sub3A_438 = arith.subf %sub3A_399, %mul3A_437 : vector<4x1xf32>
    %mul3A_439 = arith.mulf %sub3A_397, %mul3A_410 : vector<4x1xf32>
    %sub3A_440 = arith.subf %sub3A_401, %mul3A_439 : vector<4x1xf32>
    %mul3A_441 = arith.mulf %sub3A_397, %mul3A_411 : vector<4x1xf32>
    %sub3A_442 = arith.subf %sub3A_403, %mul3A_441 : vector<4x1xf32>
    %mul3A_443 = arith.mulf %sub3A_397, %mul3A_412 : vector<4x1xf32>
    %sub3A_444 = arith.subf %sub3A_405, %mul3A_443 : vector<4x1xf32>
    %div3A_445 = arith.constant 1.000000e+00 : f32
    %div3A_446 = vector.broadcast %div3A_445 : f32 to vector<4x1xf32>
    %div3A_447 = arith.divf %div3A_446, %sub3A_422 : vector<4x1xf32>
    %mul3A_448 = arith.mulf %sub3A_424, %div3A_447 : vector<4x1xf32>
    %mul3A_449 = arith.mulf %sub3A_426, %div3A_447 : vector<4x1xf32>
    %mul3A_450 = arith.mulf %sub3A_428, %div3A_447 : vector<4x1xf32>
    %mul3A_451 = arith.mulf %sub3A_414, %mul3A_448 : vector<4x1xf32>
    %sub3A_452 = arith.subf %sub3A_416, %mul3A_451 : vector<4x1xf32>
    %mul3A_453 = arith.mulf %sub3A_414, %mul3A_449 : vector<4x1xf32>
    %sub3A_454 = arith.subf %sub3A_418, %mul3A_453 : vector<4x1xf32>
    %mul3A_455 = arith.mulf %sub3A_414, %mul3A_450 : vector<4x1xf32>
    %sub3A_456 = arith.subf %sub3A_420, %mul3A_455 : vector<4x1xf32>
    %mul3A_457 = arith.mulf %mul3A_409, %mul3A_448 : vector<4x1xf32>
    %sub3A_458 = arith.subf %mul3A_410, %mul3A_457 : vector<4x1xf32>
    %mul3A_459 = arith.mulf %mul3A_409, %mul3A_449 : vector<4x1xf32>
    %sub3A_460 = arith.subf %mul3A_411, %mul3A_459 : vector<4x1xf32>
    %mul3A_461 = arith.mulf %mul3A_409, %mul3A_450 : vector<4x1xf32>
    %sub3A_462 = arith.subf %mul3A_412, %mul3A_461 : vector<4x1xf32>
    %mul3A_463 = arith.mulf %sub3A_430, %mul3A_448 : vector<4x1xf32>
    %sub3A_464 = arith.subf %sub3A_432, %mul3A_463 : vector<4x1xf32>
    %mul3A_465 = arith.mulf %sub3A_430, %mul3A_449 : vector<4x1xf32>
    %sub3A_466 = arith.subf %sub3A_434, %mul3A_465 : vector<4x1xf32>
    %mul3A_467 = arith.mulf %sub3A_430, %mul3A_450 : vector<4x1xf32>
    %sub3A_468 = arith.subf %sub3A_436, %mul3A_467 : vector<4x1xf32>
    %mul3A_469 = arith.mulf %sub3A_438, %mul3A_448 : vector<4x1xf32>
    %sub3A_470 = arith.subf %sub3A_440, %mul3A_469 : vector<4x1xf32>
    %mul3A_471 = arith.mulf %sub3A_438, %mul3A_449 : vector<4x1xf32>
    %sub3A_472 = arith.subf %sub3A_442, %mul3A_471 : vector<4x1xf32>
    %mul3A_473 = arith.mulf %sub3A_438, %mul3A_450 : vector<4x1xf32>
    %sub3A_474 = arith.subf %sub3A_444, %mul3A_473 : vector<4x1xf32>
    %div3A_475 = arith.constant 1.000000e+00 : f32
    %div3A_476 = vector.broadcast %div3A_475 : f32 to vector<4x1xf32>
    %div3A_477 = arith.divf %div3A_476, %sub3A_464 : vector<4x1xf32>
    %mul3A_478 = arith.mulf %sub3A_466, %div3A_477 : vector<4x1xf32>
    %mul3A_479 = arith.mulf %sub3A_468, %div3A_477 : vector<4x1xf32>
    %mul3A_480 = arith.mulf %sub3A_335, %mul3A_478 : vector<4x1xf32>
    %sub3A_481 = arith.subf %sub3A_337, %mul3A_480 : vector<4x1xf32>
    %mul3A_482 = arith.mulf %sub3A_335, %mul3A_479 : vector<4x1xf32>
    %sub3A_483 = arith.subf %sub3A_339, %mul3A_482 : vector<4x1xf32>
    %mul3A_484 = arith.mulf %sub3A_341, %mul3A_478 : vector<4x1xf32>
    %sub3A_485 = arith.subf %sub3A_343, %mul3A_484 : vector<4x1xf32>
    %mul3A_486 = arith.mulf %sub3A_341, %mul3A_479 : vector<4x1xf32>
    %sub3A_487 = arith.subf %sub3A_345, %mul3A_486 : vector<4x1xf32>
    %mul3A_488 = arith.mulf %mul3A_331, %mul3A_478 : vector<4x1xf32>
    %sub3A_489 = arith.subf %mul3A_332, %mul3A_488 : vector<4x1xf32>
    %mul3A_490 = arith.mulf %mul3A_331, %mul3A_479 : vector<4x1xf32>
    %sub3A_491 = arith.subf %mul3A_333, %mul3A_490 : vector<4x1xf32>
    %mul3A_492 = arith.mulf %sub3A_452, %mul3A_478 : vector<4x1xf32>
    %sub3A_493 = arith.subf %sub3A_454, %mul3A_492 : vector<4x1xf32>
    %mul3A_494 = arith.mulf %sub3A_452, %mul3A_479 : vector<4x1xf32>
    %sub3A_495 = arith.subf %sub3A_456, %mul3A_494 : vector<4x1xf32>
    %mul3A_496 = arith.mulf %sub3A_458, %mul3A_478 : vector<4x1xf32>
    %sub3A_497 = arith.subf %sub3A_460, %mul3A_496 : vector<4x1xf32>
    %mul3A_498 = arith.mulf %sub3A_458, %mul3A_479 : vector<4x1xf32>
    %sub3A_499 = arith.subf %sub3A_462, %mul3A_498 : vector<4x1xf32>
    %mul3A_500 = arith.mulf %mul3A_448, %mul3A_478 : vector<4x1xf32>
    %sub3A_501 = arith.subf %mul3A_449, %mul3A_500 : vector<4x1xf32>
    %mul3A_502 = arith.mulf %mul3A_448, %mul3A_479 : vector<4x1xf32>
    %sub3A_503 = arith.subf %mul3A_450, %mul3A_502 : vector<4x1xf32>
    %mul3A_504 = arith.mulf %sub3A_470, %mul3A_478 : vector<4x1xf32>
    %sub3A_505 = arith.subf %sub3A_472, %mul3A_504 : vector<4x1xf32>
    %mul3A_506 = arith.mulf %sub3A_470, %mul3A_479 : vector<4x1xf32>
    %sub3A_507 = arith.subf %sub3A_474, %mul3A_506 : vector<4x1xf32>
    %div3A_508 = arith.constant 1.000000e+00 : f32
    %div3A_509 = vector.broadcast %div3A_508 : f32 to vector<4x1xf32>
    %div3A_510 = arith.divf %div3A_509, %sub3A_505 : vector<4x1xf32>
    %mul3A_511 = arith.mulf %sub3A_507, %div3A_510 : vector<4x1xf32>
    %mul3A_512 = arith.mulf %sub3A_481, %mul3A_511 : vector<4x1xf32>
    %sub3A_513 = arith.subf %sub3A_483, %mul3A_512 : vector<4x1xf32>
    %mul3A_514 = arith.mulf %sub3A_485, %mul3A_511 : vector<4x1xf32>
    %sub3A_515 = arith.subf %sub3A_487, %mul3A_514 : vector<4x1xf32>
    %mul3A_516 = arith.mulf %sub3A_489, %mul3A_511 : vector<4x1xf32>
    %sub3A_517 = arith.subf %sub3A_491, %mul3A_516 : vector<4x1xf32>
    %mul3A_518 = arith.mulf %sub3A_493, %mul3A_511 : vector<4x1xf32>
    %sub3A_519 = arith.subf %sub3A_495, %mul3A_518 : vector<4x1xf32>
    %mul3A_520 = arith.mulf %sub3A_497, %mul3A_511 : vector<4x1xf32>
    %sub3A_521 = arith.subf %sub3A_499, %mul3A_520 : vector<4x1xf32>
    %mul3A_522 = arith.mulf %sub3A_501, %mul3A_511 : vector<4x1xf32>
    %sub3A_523 = arith.subf %sub3A_503, %mul3A_522 : vector<4x1xf32>
    %mul3A_524 = arith.mulf %mul3A_478, %mul3A_511 : vector<4x1xf32>
    %sub3A_525 = arith.subf %mul3A_479, %mul3A_524 : vector<4x1xf32>
    %mul3A_526 = vector.broadcast %sub3A_513 : vector<4x1xf32> to vector<4x512xf32>
    %mul3A_527 = arith.mulf %mul3A_526, %mul3A_77 : vector<4x512xf32>
    %mul3A_528 = vector.broadcast %sub3A_515 : vector<4x1xf32> to vector<4x512xf32>
    %mul3A_529 = arith.mulf %mul3A_528, %mul3A_80 : vector<4x512xf32>
    %add3A_530 = arith.addf %mul3A_527, %mul3A_529 : vector<4x512xf32>
    %add3A_531 = vector.broadcast %sub3A_517 : vector<4x1xf32> to vector<4x512xf32>
    %add3A_532 = arith.addf %add3A_530, %add3A_531 : vector<4x512xf32>
    %mul3A_533 = vector.broadcast %sub3A_519 : vector<4x1xf32> to vector<4x512xf32>
    %mul3A_534 = arith.mulf %mul3A_533, %mul3A_77 : vector<4x512xf32>
    %mul3A_535 = vector.broadcast %sub3A_521 : vector<4x1xf32> to vector<4x512xf32>
    %mul3A_536 = arith.mulf %mul3A_535, %mul3A_80 : vector<4x512xf32>
    %add3A_537 = arith.addf %mul3A_534, %mul3A_536 : vector<4x512xf32>
    %add3A_538 = vector.broadcast %sub3A_523 : vector<4x1xf32> to vector<4x512xf32>
    %add3A_539 = arith.addf %add3A_537, %add3A_538 : vector<4x512xf32>
    %mul3A_540 = vector.broadcast %sub3A_525 : vector<4x1xf32> to vector<4x512xf32>
    %mul3A_541 = arith.mulf %mul3A_540, %mul3A_77 : vector<4x512xf32>
    %mul3A_542 = vector.broadcast %mul3A_511 : vector<4x1xf32> to vector<4x512xf32>
    %mul3A_543 = arith.mulf %mul3A_542, %mul3A_80 : vector<4x512xf32>
    %add3A_544 = arith.addf %mul3A_541, %mul3A_543 : vector<4x512xf32>
    %add3A_545 = arith.constant 1.000000e+00 : f32
    %add3A_546 = vector.broadcast %add3A_545 : f32 to vector<4x512xf32>
    %add3A_547 = arith.addf %add3A_544, %add3A_546 : vector<4x512xf32>
    %div3A_548 = arith.divf %add3A_532, %add3A_547 : vector<4x512xf32>
    %sub3A_549 = arith.subf %mul3A_71, %div3A_548 : vector<4x512xf32>
    %integer_pow3A = arith.mulf %sub3A_549, %sub3A_549 : vector<4x512xf32>
    %div3A_550 = arith.divf %add3A_539, %add3A_547 : vector<4x512xf32>
    %sub3A_551 = arith.subf %mul3A_74, %div3A_550 : vector<4x512xf32>
    %integer_pow3A_552 = arith.mulf %sub3A_551, %sub3A_551 : vector<4x512xf32>
    %add3A_553 = arith.addf %integer_pow3A, %integer_pow3A_552 : vector<4x512xf32>
    %sqrt3A = math.sqrt %add3A_553 : vector<4x512xf32>
    %mul3A_554 = arith.mulf %get3A_8, %sqrt3A : vector<4x512xf32>
    %mul3A_555 = arith.mulf %mul3A_554, %concatenate3A_30 : vector<4x512xf32>
    %mul3A_556 = arith.mulf %mul3A_555, %reduce_min3A_36 : vector<4x512xf32>
    %reduce_sum3A_557 = arith.constant dense<0.000000e+00> : vector<4xf32>
    %reduce_sum3A_558 = vector.multi_reduction <add>, %mul3A_556, %reduce_sum3A_557 [1] : vector<4x512xf32> to vector<4xf32>
    %broadcast_in_dim3A_559 = vector.shape_cast %reduce_sum3A_558 : vector<4xf32> to vector<4x1xf32>
    %div3A_560 = arith.divf %broadcast_in_dim3A_559, %broadcast_in_dim3A_51 : vector<4x1xf32>
    %slice3A = vector.extract_strided_slice %div3A_560 {offsets = [0, 0], sizes = [1, 1], strides = [1, 1]} : vector<4x1xf32> to vector<1x1xf32>
    %squeeze3A = vector.extract %slice3A[0, 0] : f32 from vector<1x1xf32>
    %slice3A_561 = vector.extract_strided_slice %div3A_560 {offsets = [1, 0], sizes = [1, 1], strides = [1, 1]} : vector<4x1xf32> to vector<1x1xf32>
    %squeeze3A_562 = vector.extract %slice3A_561[0, 0] : f32 from vector<1x1xf32>
    %add3A_563 = arith.addf %squeeze3A, %squeeze3A_562 : f32
    %slice3A_564 = vector.extract_strided_slice %div3A_560 {offsets = [2, 0], sizes = [1, 1], strides = [1, 1]} : vector<4x1xf32> to vector<1x1xf32>
    %squeeze3A_565 = vector.extract %slice3A_564[0, 0] : f32 from vector<1x1xf32>
    %slice3A_566 = vector.extract_strided_slice %div3A_560 {offsets = [3, 0], sizes = [1, 1], strides = [1, 1]} : vector<4x1xf32> to vector<1x1xf32>
    %squeeze3A_567 = vector.extract %slice3A_566[0, 0] : f32 from vector<1x1xf32>
    %add3A_568 = arith.addf %squeeze3A_565, %squeeze3A_567 : f32
    %sub3A_569 = arith.subf %add3A_563, %add3A_568 : f32
    %add3A_570 = arith.constant 3.600000e+01 : f32
    %add3A_571 = arith.addf %sub3A_569, %add3A_570 : f32
    %max3A = arith.constant 0.000000e+00 : f32
    %max3A_572 = arith.maximumf %add3A_571, %max3A : f32
    %div3A_573 = arith.constant 2.000000e+00 : f32
    %div3A_574 = arith.divf %max3A_572, %div3A_573 : f32
    %get3A_575 = arith.constant 0 : index
    %get3A_576 = arith.constant 0 : index
    %get3A_577 = memref.load %arg1[%get3A_575, %get3A_576] : memref<1x1xf32, #tpu.memory_space<smem>>
    %div3A_578 = arith.constant 0x49C00000 : f32
    %div3A_579 = arith.divf %get3A_577, %div3A_578 : f32
    %add3A_580 = arith.addf %div3A_579, %div3A_574 : f32
    %swap3A = arith.constant 0 : index
    %swap3A_581 = arith.constant 0 : index
    %swap3A_582 = memref.load %arg7[%swap3A, %swap3A_581] : memref<1x1xf32, #tpu.memory_space<smem>>
    memref.store %add3A_580, %arg7[%swap3A, %swap3A_581] : memref<1x1xf32, #tpu.memory_space<smem>>
    return
  }
  func.func @transform_0(%arg0: i32) -> (i32, i32) {
    %c0_i32 = arith.constant 0 : i32
    %c0_i32_0 = arith.constant 0 : i32
    %c0_i32_1 = arith.constant 0 : i32
    return %c0_i32, %c0_i32_0 : i32, i32
  }
  func.func @transform_1(%arg0: i32) -> (i32, i32, i32) {
    %c0_i32 = arith.constant 0 : i32
    %c0_i32_0 = arith.constant 0 : i32
    %c0_i32_1 = arith.constant 0 : i32
    %c0_i32_2 = arith.constant 0 : i32
    return %c0_i32, %c0_i32_0, %c0_i32_1 : i32, i32, i32
  }
  func.func @transform_2(%arg0: i32) -> (i32, i32, i32) {
    %c0_i32 = arith.constant 0 : i32
    %c0_i32_0 = arith.constant 0 : i32
    %c0_i32_1 = arith.constant 0 : i32
    %c0_i32_2 = arith.constant 0 : i32
    return %c0_i32, %c0_i32_0, %c0_i32_1 : i32, i32, i32
  }
  func.func @transform_3(%arg0: i32) -> (i32, i32, i32) {
    %c0_i32 = arith.constant 0 : i32
    %c0_i32_0 = arith.constant 0 : i32
    %c0_i32_1 = arith.constant 0 : i32
    %c0_i32_2 = arith.constant 0 : i32
    return %c0_i32, %c0_i32_0, %c0_i32_1 : i32, i32, i32
  }
  func.func @transform_4(%arg0: i32) -> (i32, i32, i32) {
    %c0_i32 = arith.constant 0 : i32
    %c0_i32_0 = arith.constant 0 : i32
    %c0_i32_1 = arith.constant 0 : i32
    %c0_i32_2 = arith.constant 0 : i32
    return %c0_i32, %c0_i32_0, %c0_i32_1 : i32, i32, i32
  }
  func.func @transform_5(%arg0: i32) -> (i32, i32, i32) {
    %c0_i32 = arith.constant 0 : i32
    %c0_i32_0 = arith.constant 0 : i32
    %c0_i32_1 = arith.constant 0 : i32
    %c0_i32_2 = arith.constant 0 : i32
    return %c0_i32, %c0_i32_0, %c0_i32_1 : i32, i32, i32
  }
  func.func @transform_6(%arg0: i32) -> (i32, i32) {
    %c0_i32 = arith.constant 0 : i32
    %c0_i32_0 = arith.constant 0 : i32
    %c0_i32_1 = arith.constant 0 : i32
    return %c0_i32, %c0_i32_0 : i32, i32
  }
}

</mosaic_0001>

<sc_bundles>
// kernel: kernel.5.cloned.1.call-start
scs
__scs_entry_jumppad:
0x0: {  	(pc) =	sbr.rel $0x88, $3  }
0x1: {  	(tag) =	ssettag $0x0;
	lr =	simm.s32 $0x1  }
0x2: {  	[smem:$0x3F9D] =	sst lr;
	_ =	strace $0xD0000000  }
0x3: {  	_ = 	snop  }
0x4: {  	_ = 	snop  }
0x5: {  	_ = 	snop  }
0x6: {  	_ = 	snop  }
0x7: {  	_ = 	snop  }
__scs_overlays_trampoline_lowered:
0x8: {  	[smem:$0x3FAC] =	sst s0  }
0x9: {  	[smem:$0x3FAD] =	sst s1  }
0xa: {  	[smem:$0x3FAE] =	sst s2  }
0xb: {  	[smem:$0x3FAF] =	sst s3  }
0xc: {  	[smem:$0x3FB0] =	sst s4  }
0xd: {  	[smem:$0x3FB1] =	sst s5  }
0xe: {  	[smem:$0x3FB2] =	sst s6  }
0xf: {  	[smem:$0x3FB3] =	sst s7  }
0x10: {  	[smem:$0x3FB4] =	sst s8  }
0x11: {  	[smem:$0x3FB5] =	sst s9;
	s0 =	simm.s32 @!p0 $0x0  }
0x12: {  	s1 =	sld [smem:$0x3F9B];
	s0 =	simm.s32 @p0 $0x1  }
0x13: {  	[smem:$0x3FB6] =	sst s0;
	s0 =	simm.s32 @!p1 $0x0  }
0x14: {  	s2 =	sld [smem:$0x3F9A];
	s0 =	simm.s32 @p1 $0x1  }
0x15: {  	[smem:$0x3FB7] =	sst s0;
	s0 =	simm.s32 @!p2 $0x0  }
0x16: {  	s3 =	sld [smem:$0x3FDB];
	s0 =	simm.s32 @p2 $0x1  }
0x17: {  	s4 =	simm.s32 $0x1BF5;
	[smem:$0x3FB9] =	sst s0  }
0x18: {  	s0 =	sld [smem:$0x3F9C];
	_ =	swait.ge [sflag:s4], $0x0  }
0x19: {  	s7 =	sld [smem:$0x3F9D]  }
0x1a: {  	s8 =	sadd.s32 $0xFFFFE003, lr  }
0x1b: {  	s9 =	sadd.s32 $0xFFFFFEF7, lr;
	s5 =	simm.s32 $0xFFFFFFFF;
	p2 =	slt.u32 s8, $0xFFFFF086  }
0x1c: {  	p1 =	slt.u32 s9, $0xF7A;
	s5 =	simm.s32 @!p2 $0x0  }
0x1d: {  	s5 =	simm.s32 @p1 $0x1;
	p0 =	seq.s32 s7, s2  }
0x1e: {  	s7 =	smul.u32 @!p0 $0xF7A, s2;
	p2 =	seq.s32 @!p0 s5, $0x0  }
0x1f: {  	s9 =	smul.u32 $0xF7A, s1;
	s8 =	simm.s32 @!p0 $0x1BF5;
	p2 =	por !p2, p0  }
0x20: {  	[sflag:s8] =	ssyncset.s32 @!p0 $0xFFFFF086;
	s6 =	sadd.s32 @!p0 s3, s7;
	s7 =	simm.s32 @!p0 $0x108  }
0x21: {  	s3 =	sadd.s32 s3, s9;
	s6 =	sadd.s32 @!p0 $0x88, s6;
	s7 =	simm.s32 @p2 $0x1082  }
0x22: {  	[simem:s7], [sflag:s8] =	dma.local @!p0 [hbm:s6], $0xF7A  }
0x23: {  	s9 =	sor.u32 $0xD0000000, s2;
	s6 =	simm.s32 $0x108;
	_ =	swait.ge @!p0 [sflag:s8], $0x0  }
0x24: {  	s3 =	sadd.s32 $0x88, s3;
	s6 =	simm.s32 @!p1 $0x1082;
	[sflag:s4] =	ssyncset.s32 $0xFFFFF086  }
0x25: {  	[simem:s6], [sflag:s4] =	dma.local [hbm:s3], $0xF7A  }
0x26: {  	[smem:$0x3F9D] =	sst s1;
	(tag) =	ssettag s2;
	_ =	strace s9  }
0x27: {  	s1 =	sld [smem:$0x3FAD]  }
0x28: {  	s2 =	sld [smem:$0x3FAE]  }
0x29: {  	s4 =	sld [smem:$0x3FB0]  }
0x2a: {  	p0 =	seq.s32 s5, $0x0;
	s5 =	sld [smem:$0x3FB1]  }
0x2b: {  	s6 =	sld [smem:$0x3FB2]  }
0x2c: {  	s7 =	sld [smem:$0x3FB3]  }
0x2d: {  	s3 =	simm.s32 $0x108;
	s8 =	sld [smem:$0x3FB4]  }
0x2e: {  	s3 =	simm.s32 @!p0 $0x1082;
	s9 =	sld [smem:$0x3FB5]  }
0x2f: {  	lr =	sadd.s32 s0, s3;
	s0 =	sld [smem:$0x3FAC]  }
0x30: {  	s3 =	sld [smem:$0x3FAF]  }
0x31: {  	[smem:$0x3FB8] =	sst s10  }
0x32: {  	s10 =	sld [smem:$0x3FB6];
	_ =	sdelay $0x3  }
0x33: {  	p0 =	seq.s32 s10, $0x1;
	s10 =	sld [smem:$0x3FB8];
	_ =	sdelay $0x3  }
0x34: {  	[smem:$0x3FB8] =	sst s10  }
0x35: {  	s10 =	sld [smem:$0x3FB7];
	_ =	sdelay $0x3  }
0x36: {  	p1 =	seq.s32 s10, $0x1;
	s10 =	sld [smem:$0x3FB8];
	_ =	sdelay $0x3  }
0x37: {  	[smem:$0x3FB8] =	sst s10  }
0x38: {  	s10 =	sld [smem:$0x3FB9]  }
0x39: {  	_ = 	snop;
	(pc) =	sbr.ind lr, $3  }
0x3a: {  	_ = 	snop  }
0x3b: {  	_ = 	snop  }
0x3c: {  	p2 =	seq.s32 s10, $0x1;
	s10 =	sld [smem:$0x3FB8]  }
0x3d: {  	_ =	shalt  }
0x3e: {  	_ =	shalt  }
0x3f: {  	_ =	shalt  }
0x40: {  	_ =	shalt  }
0x41: {  	_ =	shalt  }
0x42: {  	_ =	shalt  }
0x43: {  	_ =	shalt  }
0x44: {  	_ =	shalt  }
0x45: {  	_ =	shalt  }
0x46: {  	_ =	shalt  }
0x47: {  	_ =	shalt  }
0x48: {  	_ =	shalt  }
0x49: {  	_ =	shalt  }
0x4a: {  	_ =	shalt  }
0x4b: {  	_ =	shalt  }
0x4c: {  	_ =	shalt  }
0x4d: {  	_ =	shalt  }
0x4e: {  	_ =	shalt  }
0x4f: {  	_ =	shalt  }
0x50: {  	_ =	shalt  }
0x51: {  	_ =	shalt  }
0x52: {  	_ =	shalt  }
0x53: {  	_ =	shalt  }
0x54: {  	_ =	shalt  }
0x55: {  	_ =	shalt  }
0x56: {  	_ =	shalt  }
0x57: {  	_ =	shalt  }
0x58: {  	_ =	shalt  }
0x59: {  	_ =	shalt  }
0x5a: {  	_ =	shalt  }
0x5b: {  	_ =	shalt  }
0x5c: {  	_ =	shalt  }
0x5d: {  	_ =	shalt  }
0x5e: {  	_ =	shalt  }
0x5f: {  	_ =	shalt  }
0x60: {  	_ =	shalt  }
0x61: {  	_ =	shalt  }
0x62: {  	_ =	shalt  }
0x63: {  	_ =	shalt  }
0x64: {  	_ =	shalt  }
0x65: {  	_ =	shalt  }
0x66: {  	_ =	shalt  }
0x67: {  	_ =	shalt  }
0x68: {  	_ =	shalt  }
0x69: {  	_ =	shalt  }
0x6a: {  	_ =	shalt  }
0x6b: {  	_ =	shalt  }
0x6c: {  	_ =	shalt  }
0x6d: {  	_ =	shalt  }
0x6e: {  	_ =	shalt  }
0x6f: {  	_ =	shalt  }
0x70: {  	_ =	shalt  }
0x71: {  	_ =	shalt  }
0x72: {  	_ =	shalt  }
0x73: {  	_ =	shalt  }
0x74: {  	_ =	shalt  }
0x75: {  	_ =	shalt  }
0x76: {  	_ =	shalt  }
0x77: {  	_ =	shalt  }
0x78: {  	_ =	shalt  }
0x79: {  	_ =	shalt  }
0x7a: {  	_ =	shalt  }
0x7b: {  	_ =	shalt  }
0x7c: {  	_ =	shalt  }
0x7d: {  	_ =	shalt  }
0x7e: {  	_ =	shalt  }
0x7f: {  	_ =	shalt  }
0x80: {  	_ =	shalt  }
0x81: {  	_ =	shalt  }
0x82: {  	_ =	shalt  }
0x83: {  	_ =	shalt  }
0x84: {  	_ =	shalt  }
0x85: {  	_ =	shalt  }
0x86: {  	_ =	shalt  }
0x87: {  	_ =	shalt  }
.Lfunc_end0:
.L_simem_size_0:
called_computation_lowered:
.L_overlay_start_0:
0x88: {  	s2 =	sld [smem:$0x3FD9]  }
0x89: {  	s3 =	sld [smem:$0x3FFE];
	_ =	sdelay $0x1  }
0x8a: {  	s1 =	srdreg.scid  }
0x8b: {  	s0 =	sand.u32 $0x1, s1  }
0x8c: {  	s17 =	sshll.u32 s0, $0xA;
	s2 =	sadd.s32 s3, s2  }
0x8d: {  	s2 =	sadd.s32 s2, s17  }
0x8e: {  	[smem:$0x3FC4] =	sst s2  }
0x8f: {  	_ = 	snop  }
0x90: {  	s2 =	sld [smem:$0x3FC7];
	(tm) =	ssettm $0x1  }
0x91: {  	s18 =	sld [smem:$0x3FFB];
	_ =	sdelay $0x3  }
0x92: {  	_ =	strace s18  }
0x93: {  	s3 =	sld [smem:$0x3FFC];
	_ =	sdelay $0x3  }
0x94: {  	_ =	strace s3  }
0x95: {  	s3 =	sld [smem:$0x3FFD];
	_ =	sdelay $0x3  }
0x96: {  	_ =	strace s3  }
0x97: {  	_ =	strace $0x8FFFFFFF  }
0x98: {  	s19 =	sld [smem:$0x3FDB];
	_ =	sdelay $0x1  }
0x99: {  	s4 =	simm.s32 $_scs_section_size  }
0x9a: {  	s5 =	simm.s32 $_size__tile_overlayer_lowered;
	s6 =	simm.s32 $_tile_overlayer_lowered  }
0x9b: {  	s22 =	simm.s32 $0x1BFF;
	s21 =	sshll.u32 s6, $0x1;
	s3 =	sadd.s32 s4, s19  }
0x9c: {  	s7 =	simm.s32 $0x0;
	s20 =	sshll.u32 s5, $0x1;
	s5 =	sadd.s32 s21, s3  }
0x9d: {  	[timem:s7], [sflag:s22] =	dma.local [hbm:s5], s20  }
0x9e: {  	_ =	swait.ge [sflag:s22], s20  }
0x9f: {  	s4 =	ssub.s32 $0x0, s20;
	[sflag:s22] =	ssyncset.done $0x0  }
0xa0: {  	[sflag:s22] =	ssyncadd.s32 s4;
	_ =	sdelay $0x1  }
0xa1: {  	s23 =	simm.s32 $0x1B8B  }
0xa2: {  	_ =	swait.ge [sflag:s23], $0x1  }
0xa3: {  	[sflag:s23] =	ssyncset.done $0x0  }
0xa4: {  	s25 =	simm.s32 $0x1B8E;
	s24 =	sld [smem:$0x3FFE];
	[sflag:s23] =	ssyncadd.s32 $0xFFFFFFFF  }
0xa5: {  	s26 =	simm.s32 $execute0_lowered;
	[smem:$0x3FD2] =	sst s25  }
0xa6: {  	s5 =	sshll.u32 s26, $0x1;
	_ =	strace $0x80000046;
	[dreg:$0x1] =	wrdreg $0xFFFFFFFF  }
0xa7: {  	s28 =	simm.s32 $_size_execute0_lowered;
	s3 =	sadd.s32 s3, s5;
	[dreg:$0x0] =	wrdreg $0x0  }
0xa8: {  	s5 =	sshll.u32 s28, $0x1;
	[dreg:$0x2] =	wrdreg s3  }
0xa9: {  	[dreg:$0x3] =	wrdreg s5  }
0xaa: {  	[dreg:$0x4] =	wrdreg $0xC0  }
0xab: {  	_ =	task [dreg:s7], $0x5FFFF  }
0xac: {  	[dreg:$0x1] =	wrdreg $0xFFFFFFFF  }
0xad: {  	[dreg:$0x0] =	wrdreg $0x60  }
0xae: {  	[dreg:$0x2] =	wrdreg s24  }
0xaf: {  	[dreg:$0x3] =	wrdreg s2  }
0xb0: {  	[dreg:$0x4] =	wrdreg $0x9  }
0xb1: {  	_ =	task.clear_ibuf [dreg:s7], $0x5FFFF;
	_ =	strace $0x90000046  }
0xb2: {  	s29 =	simm.s32 $0x9;
	_ =	strace $0x80000048  }
0xb3: {  	_ =	swait.ge [sflag:s29], $0x1  }
0xb4: {  	[sflag:s29] =	ssyncadd.s32 $0xFFFFFFFF  }
0xb5: {  	_ =	strace $0x90000048  }
0xb6: {  	_ =	sfence  }
0xb7: {  	s30 =	sld [smem:$0x0];
	_ =	sdelay $0x2  }
0xb8: {  	s31 =	sshll.u32 s1, $0xD;
	s1 =	sshrl.u32 s1, $0x2  }
0xb9: {  	s3 =	sand.u32 $0x4000, s31;
	s1 =	sadd.s32 s1, s30  }
0xba: {  	s0 =	sor.u32 s3, s0;
	s1 =	sshll.u32 s1, $0x11  }
0xbb: {  	s0 =	sor.u32 s1, s0  }
0xbc: {  	s0 =	sadd.s32 $0x8F2B, s0  }
0xbd: {  	[sflag:s0] =	ssyncadd.remote.s32 $0x1  }
0xbe: {  	_ =	sfence.sel $0xFFFF  }
0xbf: {  	[dreg:$0x0] =	wrdreg $0xFFFFFFFF;
	(pc) =	sbr.abs _section_cstart, $3  }
0xc0: {  	[dreg:$0x1] =	wrdreg $0xFFFFFFFF  }
0xc1: {  	_ =	task.clear_ibuf [dreg:s7], $0x2FFFF;
	_ =	strace $0x9FFFFFFF  }
0xc2: {  	(tm) =	ssettm $0x7FFFFFFF  }
0xc3: {  	_ =	shalt  }
tec
execute0_lowered:
.L_overlay_start_1:
0x0: {  	(tag) =	ssettag $0x1  }
0x1: {  	s0 =	stileid.u32  }
0x2: {  	s10 =	rddreg [dreg:$0x0];
	s1 =	srdreg.scid;
	s2 =	sshll.u32 s0, $0x1  }
0x3: {  	s3 =	rddreg [dreg:$0x1];
	s5 =	sand.u32 $0x1, s1;
	s2 =	sand.u32 $0x6, s2  }
0x4: {  	s1 =	rddreg [dreg:$0x2];
	s6 =	sshrl.u32 s0, $0x2;
	s4 =	sor.u32 s5, s2  }
0x5: {  	s7 =	sshll.u32 s6, $0x6;
	s2 =	simm.s32 $0x0;
	s4 =	sshll.u32 s4, $0x3  }
0x6: {  	[smem:$0x7FF] =	sst s2;
	s11 =	sor.u32 s7, s4  }
0x7: {  	_ =	strace $0x80000047;
	s4 =	sadd.s32 s3, s11;
	s3 =	simm.s32 $0x2  }
0x8: {  	[tilespmem:s2], [sflag:$0x2] =	stream.linear.gather [hbm4b:s4+s2], $0x40, $0x38;
	[tilespmem:$0x180] =	vst v63  }
0x9: {  	_ =	swait.ge [sflag:s3], $0x40  }
0xa: {  	[sflag:s3] =	ssyncset.done $0x0  }
0xb: {  	[sflag:s3] =	ssyncadd.s32 $0xFFFFFFC0  }
0xc: {  	v1 =	vld [tilespmem:$0x30]  }
0xd: {  	v2 =	vld [tilespmem:$0x20]  }
0xe: {  	v3 =	vld [tilespmem:$0x0]  }
0xf: {  	s6 =	sshll.u32 s6, $0x12;
	v4 =	vld [tilespmem:$0x10]  }
0x10: {  	s30 =	ssub.s32 $0x2, s5;
	v0 =	vmov s6  }
0x11: {  	s31 =	sshrl.u32 s30, $0x1;
	v1 =	vadd.s32 v0, v1  }
0x12: {  	s12 =	ssub.s32 s30, s31;
	v2 =	vadd.s32 v0, v2;
	[tilespmem:$0xB0] =	vst v1  }
0x13: {  	s8 =	simm.s32 $0x80;
	s12 =	smax.u32 s12, $0x1;
	v1 =	vadd.s32 v0, v3;
	[tilespmem:$0xA0] =	vst v2  }
0x14: {  	s9 =	simm.s32 $0x1;
	s5 =	sadd.s32 $0x2000, s10;
	p0 =	sne.s32 s12, $0x1;
	[tilespmem:$0x80] =	vst v1;
	v1 =	vadd.s32 v0, v4  }
.Ltmp0:
0x15: {  	s6 =	simm.s32 $0x40;
	s7 =	simm.s32 $0x100;
	[tilespmem:$0x90] =	vst v1;
	(pc) =	sbr.rel @!p0 .LBB2_2-.Ltmp0, $4  }
0x16: {  	[tilespmem:s7], [sflag:$0x1] =	stream.indirect.gather [hbm4b:s5+s6], $0x1, s8, s6, $0xb8;
	[tilespmem:$0x180] =	vst v63  }
0x17: {  	_ =	swait.ge [sflag:s9], $0x40  }
0x18: {  	s10 =	sadd.s32 s11, s10;
	[sflag:s9] =	ssyncset.done $0x0  }
0x19: {  	s11 =	sadd.s32 $0xFFFFFFFF, s12;
	s10 =	sadd.s32 $0x22000, s10;
	[sflag:s9] =	ssyncadd.s32 $0xFFFFFFC0  }
.LBB2_1:
0x1a: {  	[hbm4b:s10+s2] =	stream.linear.scatter [tilespmem:s7], [sflag:$0x2], $0x40, $0x38;
	[tilespmem:$0x180] =	vst v63  }
0x1b: {  	p0 =	sne.s32 s11, $0x1;
	s11 =	sadd.s32 $0xFFFFFFFF, s11;
	_ =	swait.ge [sflag:s3], $0x40  }
0x1c: {  	[sflag:s3] =	ssyncset.done $0x0  }
0x1d: {  	[sflag:s3] =	ssyncadd.s32 $0xFFFFFFC0  }
0x1e: {  	[tilespmem:s2], [sflag:$0x2] =	stream.linear.gather [hbm4b:s4+s2], $0x40, $0x38;
	[tilespmem:$0x180] =	vst v63  }
0x1f: {  	_ =	swait.ge [sflag:s3], $0x40  }
0x20: {  	[sflag:s3] =	ssyncset.done $0x0  }
0x21: {  	[sflag:s3] =	ssyncadd.s32 $0xFFFFFFC0  }
0x22: {  	v1 =	vld [tilespmem:$0x30]  }
0x23: {  	v2 =	vld [tilespmem:$0x20]  }
0x24: {  	v3 =	vld [tilespmem:$0x0]  }
0x25: {  	v4 =	vld [tilespmem:$0x10];
	_ =	sdelay $0x1  }
0x26: {  	v1 =	vadd.s32 v0, v1  }
0x27: {  	v2 =	vadd.s32 v0, v2;
	[tilespmem:$0xB0] =	vst v1  }
0x28: {  	v1 =	vadd.s32 v0, v3;
	[tilespmem:$0xA0] =	vst v2  }
0x29: {  	[tilespmem:$0x80] =	vst v1;
	v1 =	vadd.s32 v0, v4  }
.Ltmp1:
0x2a: {  	[tilespmem:$0x90] =	vst v1;
	(pc) =	sbr.rel @p0 .LBB2_1-.Ltmp1, $4  }
0x2b: {  	[tilespmem:s7], [sflag:$0x1] =	stream.indirect.gather [hbm4b:s5+s6], $0x1, s8, s6, $0xb8;
	[tilespmem:$0x180] =	vst v63  }
0x2c: {  	_ =	swait.ge [sflag:s9], $0x40  }
0x2d: {  	[sflag:s9] =	ssyncset.done $0x0  }
0x2e: {  	[sflag:s9] =	ssyncadd.s32 $0xFFFFFFC0  }
.LBB2_2:
0x2f: {  	[hbm4b:s10+s2] =	stream.linear.scatter [tilespmem:s7], [sflag:$0x2], $0x40, $0x38;
	[tilespmem:$0x180] =	vst v63  }
0x30: {  	_ =	swait.ge [sflag:s3], $0x40  }
0x31: {  	[sflag:s3] =	ssyncset.done $0x0  }
0x32: {  	[sflag:s3] =	ssyncadd.s32 $0xFFFFFFC0  }
0x33: {  	_ =	sfence.sel $0x180000  }
0x34: {  	[bflag:$0x0] =	sbarrier.arrive $0xFFFF  }
0x35: {  	p0 =	sne.s32 s0, $0x0;
	_ =	strace $0x90000047  }
0x36: {  	s0 =	sadd.s32 @!p0 $0x100000, s1;
	[bflag:$0x2] =	sbarrier.arrive $0xFFFF  }
0x37: {  	[sflag:s0] =	ssyncadd.tile.s32 @!p0 $0x1;
	_ =	shalt  }
.Lfunc_end2:
_tile_overlayer_lowered:
.L_overlay_start_2:
0x38: {  	(tag) =	ssettag $0x2  }
0x39: {  	s0 =	rddreg [dreg:$0x0];
	s2 =	stileid.u32  }
0x3a: {  	s1 =	rddreg [dreg:$0x1];
	p0 =	sne.s32 s2, $0x0  }
0x3b: {  	s3 =	rddreg [dreg:$0x2];
	[bflag:$0x3] =	sbarrier.arrive $0xFFFF;
	s2 =	simm.s32 @!p0 $0x1C02  }
0x3c: {  	[timem:s3], [sflag:s2] =	dma.local @!p0 [hbm:s0], s1  }
0x3d: {  	s0 =	simm.s32 @!p0 $0x2  }
0x3e: {  	_ =	swait.ge @!p0 [sflag:s0], s1  }
0x3f: {  	s1 =	ssub.s32 @!p0 $0x0, s1;
	[sflag:s0] =	ssyncset.done @!p0 $0x0  }
0x40: {  	[sflag:s0] =	ssyncadd.s32 @!p0 s1  }
0x41: {  	[bflag:$0x3] =	sbarrier.arrive $0xFFFF  }
0x42: {  	_ =	shalt  }

</sc_bundles>
